<compile_context>
chip_gen: v7x
topology: tpu7x:2x2x1
jax: 0.10.2.dev20260603
libtpu: 0.0.44.dev20260713+nightly
codegen_flags: <defaults>
</compile_context>

<pallas_src>
import functools

import jax
import jax.numpy as jnp
from jax import lax
from jax.experimental import pallas as pl
from jax.experimental.pallas import tpu as pltpu
from jax.experimental.pallas import tpu_sc as plsc

VOCAB = 100000
HIDDEN = 1024
BATCH = 4
SEQ = 8192
TOTAL = BATCH * SEQ

NUM_CORES = 2
NUM_SUBCORES = 16
NUM_WORKERS = NUM_CORES * NUM_SUBCORES
PER_WORKER = TOTAL // NUM_WORKERS

CHUNK = 16
NCHUNK = PER_WORKER // CHUNK
NBUF = 4


_mesh = plsc.VectorSubcoreMesh(core_axis_name="c", subcore_axis_name="s")


@functools.partial(
    pl.kernel,
    out_type=jax.ShapeDtypeStruct((TOTAL, HIDDEN), jnp.float32),
    mesh=_mesh,
    scratch_types=[
        pltpu.VMEM((PER_WORKER,), jnp.int32),
        *[pltpu.VMEM((CHUNK, HIDDEN), jnp.float32) for _ in range(NBUF)],
        *[pltpu.SemaphoreType.DMA for _ in range(2 * NBUF)],
    ],
)
def _embed_gather(table_hbm, idx_hbm, out_hbm, idx_v, *bufs_and_sems):
    rows_v = bufs_and_sems[:NBUF]
    gsem = bufs_and_sems[NBUF : 2 * NBUF]
    ssem = bufs_and_sems[2 * NBUF :]
    wid = lax.axis_index("s") * NUM_CORES + lax.axis_index("c")
    base = wid * PER_WORKER
    pltpu.sync_copy(idx_hbm.at[pl.ds(base, PER_WORKER)], idx_v)

    def gather_desc(chunk, b):
        off = pl.multiple_of(chunk * CHUNK, 8)
        return pltpu.make_async_copy(
            table_hbm.at[idx_v.at[pl.ds(off, CHUNK)]], rows_v[b], gsem[b]
        )

    def scatter_desc(chunk, b):
        off = pl.multiple_of(chunk * CHUNK, 8)
        return pltpu.make_async_copy(
            rows_v[b], out_hbm.at[pl.ds(base + off, CHUNK)], ssem[b]
        )

    for b in range(NBUF):
        gather_desc(b, b).start()

    for r in range(2):
        gather_desc(r, r).wait()
        scatter_desc(r, r).start()

    @pl.loop(0, NCHUNK - NBUF, step=NBUF)
    def _round(i):
        for j in range(NBUF):
            r = i + j + 2
            b = (j + 2) % NBUF
            b2 = j
            scatter_desc(r - 2, b2).wait()
            gather_desc(r + NBUF - 2, b2).start()
            gather_desc(r, b).wait()
            scatter_desc(r, b).start()

    for r in range(NCHUNK - NBUF + 2, NCHUNK):
        b = r % NBUF
        gather_desc(r, b).wait()
        scatter_desc(r, b).start()

    for r in range(NCHUNK - NBUF, NCHUNK):
        scatter_desc(r, r % NBUF).wait()


def kernel(input_ids, embedding):
    idx = input_ids.reshape(TOTAL).astype(jnp.int32)
    out = _embed_gather(embedding, idx)
    return out.reshape(BATCH, SEQ, HIDDEN)

# --- scband reference (transcript-rebuilt; emitter-appended) ---
"""Pipeline reference for scband-dummy-vlmbackbone-81801947120063 (READ-ONLY COPY).

The authoritative reference and input builder live on the scoring server;
editing this copy changes nothing except your own understanding.
"""

import jax, jax.numpy as jnp
import numpy as np

VOCAB = 100000
HIDDEN = 1024
BATCH = 4
SEQ = 8192


def setup_inputs(seed: int = 0) -> dict:
    key = jax.random.key(seed)
    k1, k2 = jax.random.split(key)
    input_ids = jax.random.randint(k1, (BATCH, SEQ), 0, VOCAB, dtype=jnp.int64 if jax.config.read('jax_enable_x64') else jnp.int32)
    embedding = jax.random.normal(k2, (VOCAB, HIDDEN), dtype=jnp.float32)
    return {"input_ids": input_ids, "embedding": embedding}


def reference(input_ids, embedding):
    # DummyVLMBackbone.forward: inputs_embeds = self.embedding(input_ids)
    # returns last_hidden_state = inputs_embeds
    inputs_embeds = jnp.take(embedding, input_ids, axis=0)
    return inputs_embeds

if __name__ == "__main__":
    import jax
    _d = setup_inputs()
    print(jax.jit(kernel)(*tuple(_d.values())))

</pallas_src>

<mosaic_0001>
#map = affine_map<(d0, d1) -> (0, 0)>
#map1 = affine_map<(d0, d1) -> (0)>
module attributes {stable_mosaic.version = 14 : i64} {
  func.func @_embed_gather(%arg0: i32, %arg1: i32, %arg2: memref<100000x1024xf32, #tpu.memory_space<hbm>>, %arg3: memref<32768xi32, #tpu.memory_space<hbm>>, %arg4: memref<32768x1024xf32, #tpu.memory_space<hbm>>, %arg5: memref<1024xi32, #tpu.memory_space<vmem>>, %arg6: memref<16x1024xf32, #tpu.memory_space<vmem>>, %arg7: memref<16x1024xf32, #tpu.memory_space<vmem>>, %arg8: memref<16x1024xf32, #tpu.memory_space<vmem>>, %arg9: memref<16x1024xf32, #tpu.memory_space<vmem>>, %arg10: memref<!tpu.dma_semaphore, #tpu.memory_space<semaphore_mem>>, %arg11: memref<!tpu.dma_semaphore, #tpu.memory_space<semaphore_mem>>, %arg12: memref<!tpu.dma_semaphore, #tpu.memory_space<semaphore_mem>>, %arg13: memref<!tpu.dma_semaphore, #tpu.memory_space<semaphore_mem>>, %arg14: memref<!tpu.dma_semaphore, #tpu.memory_space<semaphore_mem>>, %arg15: memref<!tpu.dma_semaphore, #tpu.memory_space<semaphore_mem>>, %arg16: memref<!tpu.dma_semaphore, #tpu.memory_space<semaphore_mem>>, %arg17: memref<!tpu.dma_semaphore, #tpu.memory_space<semaphore_mem>>) attributes {dimension_semantics = [#tpu.dimension_semantics<core_parallel>, #tpu.dimension_semantics<subcore_parallel>], iteration_bounds = array<i64: 2, 16>, scalar_prefetch = 0 : i64, scratch_operands = 13 : i64, tpu.core_type = #tpu.core_type<sc_vector_subcore>, window_params = [{transform_indices = #map}, {transform_indices = #map1}, {transform_indices = #map}]} {
    %mul3A = arith.constant 2 : i32
    %mul3A_0 = arith.muli %arg1, %mul3A : i32
    %add3A = arith.addi %mul3A_0, %arg0 : i32
    %mul3A_1 = arith.constant 1024 : i32
    %mul3A_2 = arith.muli %add3A, %mul3A_1 : i32
    "tpu.region"() ({
      %run_scoped3A = tpu.sem_alloc : memref<!tpu.dma_semaphore, #tpu.memory_space<semaphore_mem>>
      %dma_start3A_108 = tpu.memref_slice %arg3[%mul3A_2] : memref<32768xi32, #tpu.memory_space<hbm>> -> memref<1024xi32, #tpu.memory_space<hbm>>
      %dma_start3A_109 = tpu.memref_slice %arg3[%mul3A_2] : memref<32768xi32, #tpu.memory_space<hbm>> -> memref<1024xi32, #tpu.memory_space<hbm>>
      tpu.enqueue_dma source(%dma_start3A_109 : memref<1024xi32, #tpu.memory_space<hbm>>) target(%arg5 : memref<1024xi32, #tpu.memory_space<vmem>>) target_semaphore(%run_scoped3A : memref<!tpu.dma_semaphore, #tpu.memory_space<semaphore_mem>>)
      %dma_wait3A_110 = tpu.memref_slice %arg3[%mul3A_2] : memref<32768xi32, #tpu.memory_space<hbm>> -> memref<1024xi32, #tpu.memory_space<hbm>>
      %dma_wait3A_111 = tpu.memref_slice %arg3[%mul3A_2] : memref<32768xi32, #tpu.memory_space<hbm>> -> memref<1024xi32, #tpu.memory_space<hbm>>
      tpu.wait_dma2 semaphore(%run_scoped3A : memref<!tpu.dma_semaphore, #tpu.memory_space<semaphore_mem>>) src(%dma_wait3A_111 : memref<1024xi32, #tpu.memory_space<hbm>>) dst(%arg5 : memref<1024xi32, #tpu.memory_space<vmem>>)
      tpu.yield
    }) : () -> ()
    %multiple_of3A = arith.constant 0 : i32
    %multiple_of3A_3 = tpu.assume_multiple %multiple_of3A, 8 : i32
    %dma_start3A = tpu.memref_slice %arg5[%multiple_of3A_3] : memref<1024xi32, #tpu.memory_space<vmem>> -> memref<16xi32, #tpu.memory_space<vmem>>
    %dma_start3A_4 = arith.constant 0 : i32
    %dma_start3A_5 = arith.constant 0 : i32
    %dma_start3A_6 = tpu.memref_slice %arg2[%dma_start3A_4, %dma_start3A_5] : memref<100000x1024xf32, #tpu.memory_space<hbm>> -> memref<100000x1024xf32, #tpu.memory_space<hbm>>
    tpu.enqueue_indirect_dma source(%dma_start3A_6 : memref<100000x1024xf32, #tpu.memory_space<hbm>>) target(%arg6 : memref<16x1024xf32, #tpu.memory_space<vmem>>) offsets(%dma_start3A : memref<16xi32, #tpu.memory_space<vmem>>) semaphore(%arg10 : memref<!tpu.dma_semaphore, #tpu.memory_space<semaphore_mem>>)
    %multiple_of3A_7 = arith.constant 16 : i32
    %multiple_of3A_8 = tpu.assume_multiple %multiple_of3A_7, 8 : i32
    %dma_start3A_9 = tpu.memref_slice %arg5[%multiple_of3A_8] : memref<1024xi32, #tpu.memory_space<vmem>> -> memref<16xi32, #tpu.memory_space<vmem>>
    %dma_start3A_10 = arith.constant 0 : i32
    %dma_start3A_11 = arith.constant 0 : i32
    %dma_start3A_12 = tpu.memref_slice %arg2[%dma_start3A_10, %dma_start3A_11] : memref<100000x1024xf32, #tpu.memory_space<hbm>> -> memref<100000x1024xf32, #tpu.memory_space<hbm>>
    tpu.enqueue_indirect_dma source(%dma_start3A_12 : memref<100000x1024xf32, #tpu.memory_space<hbm>>) target(%arg7 : memref<16x1024xf32, #tpu.memory_space<vmem>>) offsets(%dma_start3A_9 : memref<16xi32, #tpu.memory_space<vmem>>) semaphore(%arg11 : memref<!tpu.dma_semaphore, #tpu.memory_space<semaphore_mem>>)
    %multiple_of3A_13 = arith.constant 32 : i32
    %multiple_of3A_14 = tpu.assume_multiple %multiple_of3A_13, 8 : i32
    %dma_start3A_15 = tpu.memref_slice %arg5[%multiple_of3A_14] : memref<1024xi32, #tpu.memory_space<vmem>> -> memref<16xi32, #tpu.memory_space<vmem>>
    %dma_start3A_16 = arith.constant 0 : i32
    %dma_start3A_17 = arith.constant 0 : i32
    %dma_start3A_18 = tpu.memref_slice %arg2[%dma_start3A_16, %dma_start3A_17] : memref<100000x1024xf32, #tpu.memory_space<hbm>> -> memref<100000x1024xf32, #tpu.memory_space<hbm>>
    tpu.enqueue_indirect_dma source(%dma_start3A_18 : memref<100000x1024xf32, #tpu.memory_space<hbm>>) target(%arg8 : memref<16x1024xf32, #tpu.memory_space<vmem>>) offsets(%dma_start3A_15 : memref<16xi32, #tpu.memory_space<vmem>>) semaphore(%arg12 : memref<!tpu.dma_semaphore, #tpu.memory_space<semaphore_mem>>)
    %multiple_of3A_19 = arith.constant 48 : i32
    %multiple_of3A_20 = tpu.assume_multiple %multiple_of3A_19, 8 : i32
    %dma_start3A_21 = tpu.memref_slice %arg5[%multiple_of3A_20] : memref<1024xi32, #tpu.memory_space<vmem>> -> memref<16xi32, #tpu.memory_space<vmem>>
    %dma_start3A_22 = arith.constant 0 : i32
    %dma_start3A_23 = arith.constant 0 : i32
    %dma_start3A_24 = tpu.memref_slice %arg2[%dma_start3A_22, %dma_start3A_23] : memref<100000x1024xf32, #tpu.memory_space<hbm>> -> memref<100000x1024xf32, #tpu.memory_space<hbm>>
    tpu.enqueue_indirect_dma source(%dma_start3A_24 : memref<100000x1024xf32, #tpu.memory_space<hbm>>) target(%arg9 : memref<16x1024xf32, #tpu.memory_space<vmem>>) offsets(%dma_start3A_21 : memref<16xi32, #tpu.memory_space<vmem>>) semaphore(%arg13 : memref<!tpu.dma_semaphore, #tpu.memory_space<semaphore_mem>>)
    %multiple_of3A_25 = arith.constant 0 : i32
    %multiple_of3A_26 = tpu.assume_multiple %multiple_of3A_25, 8 : i32
    %dma_wait3A = tpu.memref_slice %arg5[%multiple_of3A_26] : memref<1024xi32, #tpu.memory_space<vmem>> -> memref<16xi32, #tpu.memory_space<vmem>>
    %dma_wait3A_27 = arith.constant 0 : i32
    %dma_wait3A_28 = arith.constant 0 : i32
    %dma_wait3A_29 = tpu.memref_slice %arg2[%dma_wait3A_27, %dma_wait3A_28] : memref<100000x1024xf32, #tpu.memory_space<hbm>> -> memref<100000x1024xf32, #tpu.memory_space<hbm>>
    tpu.wait_indirect_dma semaphore(%arg10 : memref<!tpu.dma_semaphore, #tpu.memory_space<semaphore_mem>>) src(%dma_wait3A_29 : memref<100000x1024xf32, #tpu.memory_space<hbm>>) dst(%arg6 : memref<16x1024xf32, #tpu.memory_space<vmem>>)
    %multiple_of3A_30 = arith.constant 0 : i32
    %multiple_of3A_31 = tpu.assume_multiple %multiple_of3A_30, 8 : i32
    %add3A_32 = arith.addi %mul3A_2, %multiple_of3A_31 : i32
    %dma_start3A_33 = arith.constant 0 : i32
    %dma_start3A_34 = tpu.memref_slice %arg4[%add3A_32, %dma_start3A_33] : memref<32768x1024xf32, #tpu.memory_space<hbm>> -> memref<16x1024xf32, #tpu.memory_space<hbm>>
    %dma_start3A_35 = arith.constant 0 : i32
    %dma_start3A_36 = tpu.memref_slice %arg4[%add3A_32, %dma_start3A_35] : memref<32768x1024xf32, #tpu.memory_space<hbm>> -> memref<16x1024xf32, #tpu.memory_space<hbm>>
    tpu.enqueue_dma source(%arg6 : memref<16x1024xf32, #tpu.memory_space<vmem>>) target(%dma_start3A_36 : memref<16x1024xf32, #tpu.memory_space<hbm>>) target_semaphore(%arg14 : memref<!tpu.dma_semaphore, #tpu.memory_space<semaphore_mem>>)
    %multiple_of3A_37 = arith.constant 16 : i32
    %multiple_of3A_38 = tpu.assume_multiple %multiple_of3A_37, 8 : i32
    %dma_wait3A_39 = tpu.memref_slice %arg5[%multiple_of3A_38] : memref<1024xi32, #tpu.memory_space<vmem>> -> memref<16xi32, #tpu.memory_space<vmem>>
    %dma_wait3A_40 = arith.constant 0 : i32
    %dma_wait3A_41 = arith.constant 0 : i32
    %dma_wait3A_42 = tpu.memref_slice %arg2[%dma_wait3A_40, %dma_wait3A_41] : memref<100000x1024xf32, #tpu.memory_space<hbm>> -> memref<100000x1024xf32, #tpu.memory_space<hbm>>
    tpu.wait_indirect_dma semaphore(%arg11 : memref<!tpu.dma_semaphore, #tpu.memory_space<semaphore_mem>>) src(%dma_wait3A_42 : memref<100000x1024xf32, #tpu.memory_space<hbm>>) dst(%arg7 : memref<16x1024xf32, #tpu.memory_space<vmem>>)
    %multiple_of3A_43 = arith.constant 16 : i32
    %multiple_of3A_44 = tpu.assume_multiple %multiple_of3A_43, 8 : i32
    %add3A_45 = arith.addi %mul3A_2, %multiple_of3A_44 : i32
    %dma_start3A_46 = arith.constant 0 : i32
    %dma_start3A_47 = tpu.memref_slice %arg4[%add3A_45, %dma_start3A_46] : memref<32768x1024xf32, #tpu.memory_space<hbm>> -> memref<16x1024xf32, #tpu.memory_space<hbm>>
    %dma_start3A_48 = arith.constant 0 : i32
    %dma_start3A_49 = tpu.memref_slice %arg4[%add3A_45, %dma_start3A_48] : memref<32768x1024xf32, #tpu.memory_space<hbm>> -> memref<16x1024xf32, #tpu.memory_space<hbm>>
    tpu.enqueue_dma source(%arg7 : memref<16x1024xf32, #tpu.memory_space<vmem>>) target(%dma_start3A_49 : memref<16x1024xf32, #tpu.memory_space<hbm>>) target_semaphore(%arg15 : memref<!tpu.dma_semaphore, #tpu.memory_space<semaphore_mem>>)
    %scan3A = arith.constant 0 : i32
    %scan3A_50 = arith.constant 15 : i32
    %scan3A_51 = arith.addi %scan3A, %scan3A_50 : i32
    %scan3A_52 = arith.constant 1 : i32
    scf.for %scan3A_108 = %scan3A to %scan3A_51 step %scan3A_52  : i32 {
      %mul3A_109 = arith.constant 4 : i32
      %mul3A_110 = arith.muli %scan3A_108, %mul3A_109 : i32
      %add3A_111 = arith.constant 0 : i32
      %add3A_112 = arith.addi %add3A_111, %mul3A_110 : i32
      %add3A_113 = arith.constant 0 : i32
      %add3A_114 = arith.addi %add3A_112, %add3A_113 : i32
      %add3A_115 = arith.constant 2 : i32
      %add3A_116 = arith.addi %add3A_114, %add3A_115 : i32
      %sub3A = arith.constant 2 : i32
      %sub3A_117 = arith.subi %add3A_116, %sub3A : i32
      %mul3A_118 = arith.constant 16 : i32
      %mul3A_119 = arith.muli %sub3A_117, %mul3A_118 : i32
      %multiple_of3A_120 = tpu.assume_multiple %mul3A_119, 8 : i32
      %add3A_121 = arith.addi %mul3A_2, %multiple_of3A_120 : i32
      %dma_wait3A_122 = arith.constant 0 : i32
      %dma_wait3A_123 = tpu.memref_slice %arg4[%add3A_121, %dma_wait3A_122] : memref<32768x1024xf32, #tpu.memory_space<hbm>> -> memref<16x1024xf32, #tpu.memory_space<hbm>>
      %dma_wait3A_124 = arith.constant 0 : i32
      %dma_wait3A_125 = tpu.memref_slice %arg4[%add3A_121, %dma_wait3A_124] : memref<32768x1024xf32, #tpu.memory_space<hbm>> -> memref<16x1024xf32, #tpu.memory_space<hbm>>
      tpu.wait_dma2 semaphore(%arg14 : memref<!tpu.dma_semaphore, #tpu.memory_space<semaphore_mem>>) src(%arg6 : memref<16x1024xf32, #tpu.memory_space<vmem>>) dst(%dma_wait3A_125 : memref<16x1024xf32, #tpu.memory_space<hbm>>)
      %add3A_126 = arith.constant 4 : i32
      %add3A_127 = arith.addi %add3A_116, %add3A_126 : i32
      %sub3A_128 = arith.constant 2 : i32
      %sub3A_129 = arith.subi %add3A_127, %sub3A_128 : i32
      %mul3A_130 = arith.constant 16 : i32
      %mul3A_131 = arith.muli %sub3A_129, %mul3A_130 : i32
      %multiple_of3A_132 = tpu.assume_multiple %mul3A_131, 8 : i32
      %dma_start3A_133 = tpu.memref_slice %arg5[%multiple_of3A_132] : memref<1024xi32, #tpu.memory_space<vmem>> -> memref<16xi32, #tpu.memory_space<vmem>>
      %dma_start3A_134 = arith.constant 0 : i32
      %dma_start3A_135 = arith.constant 0 : i32
      %dma_start3A_136 = tpu.memref_slice %arg2[%dma_start3A_134, %dma_start3A_135] : memref<100000x1024xf32, #tpu.memory_space<hbm>> -> memref<100000x1024xf32, #tpu.memory_space<hbm>>
      tpu.enqueue_indirect_dma source(%dma_start3A_136 : memref<100000x1024xf32, #tpu.memory_space<hbm>>) target(%arg6 : memref<16x1024xf32, #tpu.memory_space<vmem>>) offsets(%dma_start3A_133 : memref<16xi32, #tpu.memory_space<vmem>>) semaphore(%arg10 : memref<!tpu.dma_semaphore, #tpu.memory_space<semaphore_mem>>)
      %mul3A_137 = arith.constant 16 : i32
      %mul3A_138 = arith.muli %add3A_116, %mul3A_137 : i32
      %multiple_of3A_139 = tpu.assume_multiple %mul3A_138, 8 : i32
      %dma_wait3A_140 = tpu.memref_slice %arg5[%multiple_of3A_139] : memref<1024xi32, #tpu.memory_space<vmem>> -> memref<16xi32, #tpu.memory_space<vmem>>
      %dma_wait3A_141 = arith.constant 0 : i32
      %dma_wait3A_142 = arith.constant 0 : i32
      %dma_wait3A_143 = tpu.memref_slice %arg2[%dma_wait3A_141, %dma_wait3A_142] : memref<100000x1024xf32, #tpu.memory_space<hbm>> -> memref<100000x1024xf32, #tpu.memory_space<hbm>>
      tpu.wait_indirect_dma semaphore(%arg12 : memref<!tpu.dma_semaphore, #tpu.memory_space<semaphore_mem>>) src(%dma_wait3A_143 : memref<100000x1024xf32, #tpu.memory_space<hbm>>) dst(%arg8 : memref<16x1024xf32, #tpu.memory_space<vmem>>)
      %mul3A_144 = arith.constant 16 : i32
      %mul3A_145 = arith.muli %add3A_116, %mul3A_144 : i32
      %multiple_of3A_146 = tpu.assume_multiple %mul3A_145, 8 : i32
      %add3A_147 = arith.addi %mul3A_2, %multiple_of3A_146 : i32
      %dma_start3A_148 = arith.constant 0 : i32
      %dma_start3A_149 = tpu.memref_slice %arg4[%add3A_147, %dma_start3A_148] : memref<32768x1024xf32, #tpu.memory_space<hbm>> -> memref<16x1024xf32, #tpu.memory_space<hbm>>
      %dma_start3A_150 = arith.constant 0 : i32
      %dma_start3A_151 = tpu.memref_slice %arg4[%add3A_147, %dma_start3A_150] : memref<32768x1024xf32, #tpu.memory_space<hbm>> -> memref<16x1024xf32, #tpu.memory_space<hbm>>
      tpu.enqueue_dma source(%arg8 : memref<16x1024xf32, #tpu.memory_space<vmem>>) target(%dma_start3A_151 : memref<16x1024xf32, #tpu.memory_space<hbm>>) target_semaphore(%arg16 : memref<!tpu.dma_semaphore, #tpu.memory_space<semaphore_mem>>)
      %add3A_152 = arith.constant 1 : i32
      %add3A_153 = arith.addi %add3A_112, %add3A_152 : i32
      %add3A_154 = arith.constant 2 : i32
      %add3A_155 = arith.addi %add3A_153, %add3A_154 : i32
      %sub3A_156 = arith.constant 2 : i32
      %sub3A_157 = arith.subi %add3A_155, %sub3A_156 : i32
      %mul3A_158 = arith.constant 16 : i32
      %mul3A_159 = arith.muli %sub3A_157, %mul3A_158 : i32
      %multiple_of3A_160 = tpu.assume_multiple %mul3A_159, 8 : i32
      %add3A_161 = arith.addi %mul3A_2, %multiple_of3A_160 : i32
      %dma_wait3A_162 = arith.constant 0 : i32
      %dma_wait3A_163 = tpu.memref_slice %arg4[%add3A_161, %dma_wait3A_162] : memref<32768x1024xf32, #tpu.memory_space<hbm>> -> memref<16x1024xf32, #tpu.memory_space<hbm>>
      %dma_wait3A_164 = arith.constant 0 : i32
      %dma_wait3A_165 = tpu.memref_slice %arg4[%add3A_161, %dma_wait3A_164] : memref<32768x1024xf32, #tpu.memory_space<hbm>> -> memref<16x1024xf32, #tpu.memory_space<hbm>>
      tpu.wait_dma2 semaphore(%arg15 : memref<!tpu.dma_semaphore, #tpu.memory_space<semaphore_mem>>) src(%arg7 : memref<16x1024xf32, #tpu.memory_space<vmem>>) dst(%dma_wait3A_165 : memref<16x1024xf32, #tpu.memory_space<hbm>>)
      %add3A_166 = arith.constant 4 : i32
      %add3A_167 = arith.addi %add3A_155, %add3A_166 : i32
      %sub3A_168 = arith.constant 2 : i32
      %sub3A_169 = arith.subi %add3A_167, %sub3A_168 : i32
      %mul3A_170 = arith.constant 16 : i32
      %mul3A_171 = arith.muli %sub3A_169, %mul3A_170 : i32
      %multiple_of3A_172 = tpu.assume_multiple %mul3A_171, 8 : i32
      %dma_start3A_173 = tpu.memref_slice %arg5[%multiple_of3A_172] : memref<1024xi32, #tpu.memory_space<vmem>> -> memref<16xi32, #tpu.memory_space<vmem>>
      %dma_start3A_174 = arith.constant 0 : i32
      %dma_start3A_175 = arith.constant 0 : i32
      %dma_start3A_176 = tpu.memref_slice %arg2[%dma_start3A_174, %dma_start3A_175] : memref<100000x1024xf32, #tpu.memory_space<hbm>> -> memref<100000x1024xf32, #tpu.memory_space<hbm>>
      tpu.enqueue_indirect_dma source(%dma_start3A_176 : memref<100000x1024xf32, #tpu.memory_space<hbm>>) target(%arg7 : memref<16x1024xf32, #tpu.memory_space<vmem>>) offsets(%dma_start3A_173 : memref<16xi32, #tpu.memory_space<vmem>>) semaphore(%arg11 : memref<!tpu.dma_semaphore, #tpu.memory_space<semaphore_mem>>)
      %mul3A_177 = arith.constant 16 : i32
      %mul3A_178 = arith.muli %add3A_155, %mul3A_177 : i32
      %multiple_of3A_179 = tpu.assume_multiple %mul3A_178, 8 : i32
      %dma_wait3A_180 = tpu.memref_slice %arg5[%multiple_of3A_179] : memref<1024xi32, #tpu.memory_space<vmem>> -> memref<16xi32, #tpu.memory_space<vmem>>
      %dma_wait3A_181 = arith.constant 0 : i32
      %dma_wait3A_182 = arith.constant 0 : i32
      %dma_wait3A_183 = tpu.memref_slice %arg2[%dma_wait3A_181, %dma_wait3A_182] : memref<100000x1024xf32, #tpu.memory_space<hbm>> -> memref<100000x1024xf32, #tpu.memory_space<hbm>>
      tpu.wait_indirect_dma semaphore(%arg13 : memref<!tpu.dma_semaphore, #tpu.memory_space<semaphore_mem>>) src(%dma_wait3A_183 : memref<100000x1024xf32, #tpu.memory_space<hbm>>) dst(%arg9 : memref<16x1024xf32, #tpu.memory_space<vmem>>)
      %mul3A_184 = arith.constant 16 : i32
      %mul3A_185 = arith.muli %add3A_155, %mul3A_184 : i32
      %multiple_of3A_186 = tpu.assume_multiple %mul3A_185, 8 : i32
      %add3A_187 = arith.addi %mul3A_2, %multiple_of3A_186 : i32
      %dma_start3A_188 = arith.constant 0 : i32
      %dma_start3A_189 = tpu.memref_slice %arg4[%add3A_187, %dma_start3A_188] : memref<32768x1024xf32, #tpu.memory_space<hbm>> -> memref<16x1024xf32, #tpu.memory_space<hbm>>
      %dma_start3A_190 = arith.constant 0 : i32
      %dma_start3A_191 = tpu.memref_slice %arg4[%add3A_187, %dma_start3A_190] : memref<32768x1024xf32, #tpu.memory_space<hbm>> -> memref<16x1024xf32, #tpu.memory_space<hbm>>
      tpu.enqueue_dma source(%arg9 : memref<16x1024xf32, #tpu.memory_space<vmem>>) target(%dma_start3A_191 : memref<16x1024xf32, #tpu.memory_space<hbm>>) target_semaphore(%arg17 : memref<!tpu.dma_semaphore, #tpu.memory_space<semaphore_mem>>)
      %add3A_192 = arith.constant 2 : i32
      %add3A_193 = arith.addi %add3A_112, %add3A_192 : i32
      %add3A_194 = arith.constant 2 : i32
      %add3A_195 = arith.addi %add3A_193, %add3A_194 : i32
      %sub3A_196 = arith.constant 2 : i32
      %sub3A_197 = arith.subi %add3A_195, %sub3A_196 : i32
      %mul3A_198 = arith.constant 16 : i32
      %mul3A_199 = arith.muli %sub3A_197, %mul3A_198 : i32
      %multiple_of3A_200 = tpu.assume_multiple %mul3A_199, 8 : i32
      %add3A_201 = arith.addi %mul3A_2, %multiple_of3A_200 : i32
      %dma_wait3A_202 = arith.constant 0 : i32
      %dma_wait3A_203 = tpu.memref_slice %arg4[%add3A_201, %dma_wait3A_202] : memref<32768x1024xf32, #tpu.memory_space<hbm>> -> memref<16x1024xf32, #tpu.memory_space<hbm>>
      %dma_wait3A_204 = arith.constant 0 : i32
      %dma_wait3A_205 = tpu.memref_slice %arg4[%add3A_201, %dma_wait3A_204] : memref<32768x1024xf32, #tpu.memory_space<hbm>> -> memref<16x1024xf32, #tpu.memory_space<hbm>>
      tpu.wait_dma2 semaphore(%arg16 : memref<!tpu.dma_semaphore, #tpu.memory_space<semaphore_mem>>) src(%arg8 : memref<16x1024xf32, #tpu.memory_space<vmem>>) dst(%dma_wait3A_205 : memref<16x1024xf32, #tpu.memory_space<hbm>>)
      %add3A_206 = arith.constant 4 : i32
      %add3A_207 = arith.addi %add3A_195, %add3A_206 : i32
      %sub3A_208 = arith.constant 2 : i32
      %sub3A_209 = arith.subi %add3A_207, %sub3A_208 : i32
      %mul3A_210 = arith.constant 16 : i32
      %mul3A_211 = arith.muli %sub3A_209, %mul3A_210 : i32
      %multiple_of3A_212 = tpu.assume_multiple %mul3A_211, 8 : i32
      %dma_start3A_213 = tpu.memref_slice %arg5[%multiple_of3A_212] : memref<1024xi32, #tpu.memory_space<vmem>> -> memref<16xi32, #tpu.memory_space<vmem>>
      %dma_start3A_214 = arith.constant 0 : i32
      %dma_start3A_215 = arith.constant 0 : i32
      %dma_start3A_216 = tpu.memref_slice %arg2[%dma_start3A_214, %dma_start3A_215] : memref<100000x1024xf32, #tpu.memory_space<hbm>> -> memref<100000x1024xf32, #tpu.memory_space<hbm>>
      tpu.enqueue_indirect_dma source(%dma_start3A_216 : memref<100000x1024xf32, #tpu.memory_space<hbm>>) target(%arg8 : memref<16x1024xf32, #tpu.memory_space<vmem>>) offsets(%dma_start3A_213 : memref<16xi32, #tpu.memory_space<vmem>>) semaphore(%arg12 : memref<!tpu.dma_semaphore, #tpu.memory_space<semaphore_mem>>)
      %mul3A_217 = arith.constant 16 : i32
      %mul3A_218 = arith.muli %add3A_195, %mul3A_217 : i32
      %multiple_of3A_219 = tpu.assume_multiple %mul3A_218, 8 : i32
      %dma_wait3A_220 = tpu.memref_slice %arg5[%multiple_of3A_219] : memref<1024xi32, #tpu.memory_space<vmem>> -> memref<16xi32, #tpu.memory_space<vmem>>
      %dma_wait3A_221 = arith.constant 0 : i32
      %dma_wait3A_222 = arith.constant 0 : i32
      %dma_wait3A_223 = tpu.memref_slice %arg2[%dma_wait3A_221, %dma_wait3A_222] : memref<100000x1024xf32, #tpu.memory_space<hbm>> -> memref<100000x1024xf32, #tpu.memory_space<hbm>>
      tpu.wait_indirect_dma semaphore(%arg10 : memref<!tpu.dma_semaphore, #tpu.memory_space<semaphore_mem>>) src(%dma_wait3A_223 : memref<100000x1024xf32, #tpu.memory_space<hbm>>) dst(%arg6 : memref<16x1024xf32, #tpu.memory_space<vmem>>)
      %mul3A_224 = arith.constant 16 : i32
      %mul3A_225 = arith.muli %add3A_195, %mul3A_224 : i32
      %multiple_of3A_226 = tpu.assume_multiple %mul3A_225, 8 : i32
      %add3A_227 = arith.addi %mul3A_2, %multiple_of3A_226 : i32
      %dma_start3A_228 = arith.constant 0 : i32
      %dma_start3A_229 = tpu.memref_slice %arg4[%add3A_227, %dma_start3A_228] : memref<32768x1024xf32, #tpu.memory_space<hbm>> -> memref<16x1024xf32, #tpu.memory_space<hbm>>
      %dma_start3A_230 = arith.constant 0 : i32
      %dma_start3A_231 = tpu.memref_slice %arg4[%add3A_227, %dma_start3A_230] : memref<32768x1024xf32, #tpu.memory_space<hbm>> -> memref<16x1024xf32, #tpu.memory_space<hbm>>
      tpu.enqueue_dma source(%arg6 : memref<16x1024xf32, #tpu.memory_space<vmem>>) target(%dma_start3A_231 : memref<16x1024xf32, #tpu.memory_space<hbm>>) target_semaphore(%arg14 : memref<!tpu.dma_semaphore, #tpu.memory_space<semaphore_mem>>)
      %add3A_232 = arith.constant 3 : i32
      %add3A_233 = arith.addi %add3A_112, %add3A_232 : i32
      %add3A_234 = arith.constant 2 : i32
      %add3A_235 = arith.addi %add3A_233, %add3A_234 : i32
      %sub3A_236 = arith.constant 2 : i32
      %sub3A_237 = arith.subi %add3A_235, %sub3A_236 : i32
      %mul3A_238 = arith.constant 16 : i32
      %mul3A_239 = arith.muli %sub3A_237, %mul3A_238 : i32
      %multiple_of3A_240 = tpu.assume_multiple %mul3A_239, 8 : i32
      %add3A_241 = arith.addi %mul3A_2, %multiple_of3A_240 : i32
      %dma_wait3A_242 = arith.constant 0 : i32
      %dma_wait3A_243 = tpu.memref_slice %arg4[%add3A_241, %dma_wait3A_242] : memref<32768x1024xf32, #tpu.memory_space<hbm>> -> memref<16x1024xf32, #tpu.memory_space<hbm>>
      %dma_wait3A_244 = arith.constant 0 : i32
      %dma_wait3A_245 = tpu.memref_slice %arg4[%add3A_241, %dma_wait3A_244] : memref<32768x1024xf32, #tpu.memory_space<hbm>> -> memref<16x1024xf32, #tpu.memory_space<hbm>>
      tpu.wait_dma2 semaphore(%arg17 : memref<!tpu.dma_semaphore, #tpu.memory_space<semaphore_mem>>) src(%arg9 : memref<16x1024xf32, #tpu.memory_space<vmem>>) dst(%dma_wait3A_245 : memref<16x1024xf32, #tpu.memory_space<hbm>>)
      %add3A_246 = arith.constant 4 : i32
      %add3A_247 = arith.addi %add3A_235, %add3A_246 : i32
      %sub3A_248 = arith.constant 2 : i32
      %sub3A_249 = arith.subi %add3A_247, %sub3A_248 : i32
      %mul3A_250 = arith.constant 16 : i32
      %mul3A_251 = arith.muli %sub3A_249, %mul3A_250 : i32
      %multiple_of3A_252 = tpu.assume_multiple %mul3A_251, 8 : i32
      %dma_start3A_253 = tpu.memref_slice %arg5[%multiple_of3A_252] : memref<1024xi32, #tpu.memory_space<vmem>> -> memref<16xi32, #tpu.memory_space<vmem>>
      %dma_start3A_254 = arith.constant 0 : i32
      %dma_start3A_255 = arith.constant 0 : i32
      %dma_start3A_256 = tpu.memref_slice %arg2[%dma_start3A_254, %dma_start3A_255] : memref<100000x1024xf32, #tpu.memory_space<hbm>> -> memref<100000x1024xf32, #tpu.memory_space<hbm>>
      tpu.enqueue_indirect_dma source(%dma_start3A_256 : memref<100000x1024xf32, #tpu.memory_space<hbm>>) target(%arg9 : memref<16x1024xf32, #tpu.memory_space<vmem>>) offsets(%dma_start3A_253 : memref<16xi32, #tpu.memory_space<vmem>>) semaphore(%arg13 : memref<!tpu.dma_semaphore, #tpu.memory_space<semaphore_mem>>)
      %mul3A_257 = arith.constant 16 : i32
      %mul3A_258 = arith.muli %add3A_235, %mul3A_257 : i32
      %multiple_of3A_259 = tpu.assume_multiple %mul3A_258, 8 : i32
      %dma_wait3A_260 = tpu.memref_slice %arg5[%multiple_of3A_259] : memref<1024xi32, #tpu.memory_space<vmem>> -> memref<16xi32, #tpu.memory_space<vmem>>
      %dma_wait3A_261 = arith.constant 0 : i32
      %dma_wait3A_262 = arith.constant 0 : i32
      %dma_wait3A_263 = tpu.memref_slice %arg2[%dma_wait3A_261, %dma_wait3A_262] : memref<100000x1024xf32, #tpu.memory_space<hbm>> -> memref<100000x1024xf32, #tpu.memory_space<hbm>>
      tpu.wait_indirect_dma semaphore(%arg11 : memref<!tpu.dma_semaphore, #tpu.memory_space<semaphore_mem>>) src(%dma_wait3A_263 : memref<100000x1024xf32, #tpu.memory_space<hbm>>) dst(%arg7 : memref<16x1024xf32, #tpu.memory_space<vmem>>)
      %mul3A_264 = arith.constant 16 : i32
      %mul3A_265 = arith.muli %add3A_235, %mul3A_264 : i32
      %multiple_of3A_266 = tpu.assume_multiple %mul3A_265, 8 : i32
      %add3A_267 = arith.addi %mul3A_2, %multiple_of3A_266 : i32
      %dma_start3A_268 = arith.constant 0 : i32
      %dma_start3A_269 = tpu.memref_slice %arg4[%add3A_267, %dma_start3A_268] : memref<32768x1024xf32, #tpu.memory_space<hbm>> -> memref<16x1024xf32, #tpu.memory_space<hbm>>
      %dma_start3A_270 = arith.constant 0 : i32
      %dma_start3A_271 = tpu.memref_slice %arg4[%add3A_267, %dma_start3A_270] : memref<32768x1024xf32, #tpu.memory_space<hbm>> -> memref<16x1024xf32, #tpu.memory_space<hbm>>
      tpu.enqueue_dma source(%arg7 : memref<16x1024xf32, #tpu.memory_space<vmem>>) target(%dma_start3A_271 : memref<16x1024xf32, #tpu.memory_space<hbm>>) target_semaphore(%arg15 : memref<!tpu.dma_semaphore, #tpu.memory_space<semaphore_mem>>)
    }
    %scan3A_53 = arith.constant 15 : i32
    %multiple_of3A_54 = arith.constant 992 : i32
    %multiple_of3A_55 = tpu.assume_multiple %multiple_of3A_54, 8 : i32
    %dma_wait3A_56 = tpu.memref_slice %arg5[%multiple_of3A_55] : memref<1024xi32, #tpu.memory_space<vmem>> -> memref<16xi32, #tpu.memory_space<vmem>>
    %dma_wait3A_57 = arith.constant 0 : i32
    %dma_wait3A_58 = arith.constant 0 : i32
    %dma_wait3A_59 = tpu.memref_slice %arg2[%dma_wait3A_57, %dma_wait3A_58] : memref<100000x1024xf32, #tpu.memory_space<hbm>> -> memref<100000x1024xf32, #tpu.memory_space<hbm>>
    tpu.wait_indirect_dma semaphore(%arg12 : memref<!tpu.dma_semaphore, #tpu.memory_space<semaphore_mem>>) src(%dma_wait3A_59 : memref<100000x1024xf32, #tpu.memory_space<hbm>>) dst(%arg8 : memref<16x1024xf32, #tpu.memory_space<vmem>>)
    %multiple_of3A_60 = arith.constant 992 : i32
    %multiple_of3A_61 = tpu.assume_multiple %multiple_of3A_60, 8 : i32
    %add3A_62 = arith.addi %mul3A_2, %multiple_of3A_61 : i32
    %dma_start3A_63 = arith.constant 0 : i32
    %dma_start3A_64 = tpu.memref_slice %arg4[%add3A_62, %dma_start3A_63] : memref<32768x1024xf32, #tpu.memory_space<hbm>> -> memref<16x1024xf32, #tpu.memory_space<hbm>>
    %dma_start3A_65 = arith.constant 0 : i32
    %dma_start3A_66 = tpu.memref_slice %arg4[%add3A_62, %dma_start3A_65] : memref<32768x1024xf32, #tpu.memory_space<hbm>> -> memref<16x1024xf32, #tpu.memory_space<hbm>>
    tpu.enqueue_dma source(%arg8 : memref<16x1024xf32, #tpu.memory_space<vmem>>) target(%dma_start3A_66 : memref<16x1024xf32, #tpu.memory_space<hbm>>) target_semaphore(%arg16 : memref<!tpu.dma_semaphore, #tpu.memory_space<semaphore_mem>>)
    %multiple_of3A_67 = arith.constant 1008 : i32
    %multiple_of3A_68 = tpu.assume_multiple %multiple_of3A_67, 8 : i32
    %dma_wait3A_69 = tpu.memref_slice %arg5[%multiple_of3A_68] : memref<1024xi32, #tpu.memory_space<vmem>> -> memref<16xi32, #tpu.memory_space<vmem>>
    %dma_wait3A_70 = arith.constant 0 : i32
    %dma_wait3A_71 = arith.constant 0 : i32
    %dma_wait3A_72 = tpu.memref_slice %arg2[%dma_wait3A_70, %dma_wait3A_71] : memref<100000x1024xf32, #tpu.memory_space<hbm>> -> memref<100000x1024xf32, #tpu.memory_space<hbm>>
    tpu.wait_indirect_dma semaphore(%arg13 : memref<!tpu.dma_semaphore, #tpu.memory_space<semaphore_mem>>) src(%dma_wait3A_72 : memref<100000x1024xf32, #tpu.memory_space<hbm>>) dst(%arg9 : memref<16x1024xf32, #tpu.memory_space<vmem>>)
    %multiple_of3A_73 = arith.constant 1008 : i32
    %multiple_of3A_74 = tpu.assume_multiple %multiple_of3A_73, 8 : i32
    %add3A_75 = arith.addi %mul3A_2, %multiple_of3A_74 : i32
    %dma_start3A_76 = arith.constant 0 : i32
    %dma_start3A_77 = tpu.memref_slice %arg4[%add3A_75, %dma_start3A_76] : memref<32768x1024xf32, #tpu.memory_space<hbm>> -> memref<16x1024xf32, #tpu.memory_space<hbm>>
    %dma_start3A_78 = arith.constant 0 : i32
    %dma_start3A_79 = tpu.memref_slice %arg4[%add3A_75, %dma_start3A_78] : memref<32768x1024xf32, #tpu.memory_space<hbm>> -> memref<16x1024xf32, #tpu.memory_space<hbm>>
    tpu.enqueue_dma source(%arg9 : memref<16x1024xf32, #tpu.memory_space<vmem>>) target(%dma_start3A_79 : memref<16x1024xf32, #tpu.memory_space<hbm>>) target_semaphore(%arg17 : memref<!tpu.dma_semaphore, #tpu.memory_space<semaphore_mem>>)
    %multiple_of3A_80 = arith.constant 960 : i32
    %multiple_of3A_81 = tpu.assume_multiple %multiple_of3A_80, 8 : i32
    %add3A_82 = arith.addi %mul3A_2, %multiple_of3A_81 : i32
    %dma_wait3A_83 = arith.constant 0 : i32
    %dma_wait3A_84 = tpu.memref_slice %arg4[%add3A_82, %dma_wait3A_83] : memref<32768x1024xf32, #tpu.memory_space<hbm>> -> memref<16x1024xf32, #tpu.memory_space<hbm>>
    %dma_wait3A_85 = arith.constant 0 : i32
    %dma_wait3A_86 = tpu.memref_slice %arg4[%add3A_82, %dma_wait3A_85] : memref<32768x1024xf32, #tpu.memory_space<hbm>> -> memref<16x1024xf32, #tpu.memory_space<hbm>>
    tpu.wait_dma2 semaphore(%arg14 : memref<!tpu.dma_semaphore, #tpu.memory_space<semaphore_mem>>) src(%arg6 : memref<16x1024xf32, #tpu.memory_space<vmem>>) dst(%dma_wait3A_86 : memref<16x1024xf32, #tpu.memory_space<hbm>>)
    %multiple_of3A_87 = arith.constant 976 : i32
    %multiple_of3A_88 = tpu.assume_multiple %multiple_of3A_87, 8 : i32
    %add3A_89 = arith.addi %mul3A_2, %multiple_of3A_88 : i32
    %dma_wait3A_90 = arith.constant 0 : i32
    %dma_wait3A_91 = tpu.memref_slice %arg4[%add3A_89, %dma_wait3A_90] : memref<32768x1024xf32, #tpu.memory_space<hbm>> -> memref<16x1024xf32, #tpu.memory_space<hbm>>
    %dma_wait3A_92 = arith.constant 0 : i32
    %dma_wait3A_93 = tpu.memref_slice %arg4[%add3A_89, %dma_wait3A_92] : memref<32768x1024xf32, #tpu.memory_space<hbm>> -> memref<16x1024xf32, #tpu.memory_space<hbm>>
    tpu.wait_dma2 semaphore(%arg15 : memref<!tpu.dma_semaphore, #tpu.memory_space<semaphore_mem>>) src(%arg7 : memref<16x1024xf32, #tpu.memory_space<vmem>>) dst(%dma_wait3A_93 : memref<16x1024xf32, #tpu.memory_space<hbm>>)
    %multiple_of3A_94 = arith.constant 992 : i32
    %multiple_of3A_95 = tpu.assume_multiple %multiple_of3A_94, 8 : i32
    %add3A_96 = arith.addi %mul3A_2, %multiple_of3A_95 : i32
    %dma_wait3A_97 = arith.constant 0 : i32
    %dma_wait3A_98 = tpu.memref_slice %arg4[%add3A_96, %dma_wait3A_97] : memref<32768x1024xf32, #tpu.memory_space<hbm>> -> memref<16x1024xf32, #tpu.memory_space<hbm>>
    %dma_wait3A_99 = arith.constant 0 : i32
    %dma_wait3A_100 = tpu.memref_slice %arg4[%add3A_96, %dma_wait3A_99] : memref<32768x1024xf32, #tpu.memory_space<hbm>> -> memref<16x1024xf32, #tpu.memory_space<hbm>>
    tpu.wait_dma2 semaphore(%arg16 : memref<!tpu.dma_semaphore, #tpu.memory_space<semaphore_mem>>) src(%arg8 : memref<16x1024xf32, #tpu.memory_space<vmem>>) dst(%dma_wait3A_100 : memref<16x1024xf32, #tpu.memory_space<hbm>>)
    %multiple_of3A_101 = arith.constant 1008 : i32
    %multiple_of3A_102 = tpu.assume_multiple %multiple_of3A_101, 8 : i32
    %add3A_103 = arith.addi %mul3A_2, %multiple_of3A_102 : i32
    %dma_wait3A_104 = arith.constant 0 : i32
    %dma_wait3A_105 = tpu.memref_slice %arg4[%add3A_103, %dma_wait3A_104] : memref<32768x1024xf32, #tpu.memory_space<hbm>> -> memref<16x1024xf32, #tpu.memory_space<hbm>>
    %dma_wait3A_106 = arith.constant 0 : i32
    %dma_wait3A_107 = tpu.memref_slice %arg4[%add3A_103, %dma_wait3A_106] : memref<32768x1024xf32, #tpu.memory_space<hbm>> -> memref<16x1024xf32, #tpu.memory_space<hbm>>
    tpu.wait_dma2 semaphore(%arg17 : memref<!tpu.dma_semaphore, #tpu.memory_space<semaphore_mem>>) src(%arg9 : memref<16x1024xf32, #tpu.memory_space<vmem>>) dst(%dma_wait3A_107 : memref<16x1024xf32, #tpu.memory_space<hbm>>)
    return
  }
}

</mosaic_0001>

<sc_bundles>
// kernel: kernel.3.cloned.1.call-start
scs
__scs_entry_jumppad:
0x0: {  	(pc) =	sbr.rel $0x88, $3  }
0x1: {  	(tag) =	ssettag $0x0;
	lr =	simm.s32 $0x1  }
0x2: {  	[smem:$0x3F9F] =	sst lr;
	_ =	strace $0xD0000000  }
0x3: {  	_ = 	snop  }
0x4: {  	_ = 	snop  }
0x5: {  	_ = 	snop  }
0x6: {  	_ = 	snop  }
0x7: {  	_ = 	snop  }
__scs_overlays_trampoline_lowered:
0x8: {  	[smem:$0x3FAE] =	sst s0  }
0x9: {  	[smem:$0x3FAF] =	sst s1  }
0xa: {  	[smem:$0x3FB0] =	sst s2  }
0xb: {  	[smem:$0x3FB1] =	sst s3  }
0xc: {  	[smem:$0x3FB2] =	sst s4  }
0xd: {  	[smem:$0x3FB3] =	sst s5  }
0xe: {  	[smem:$0x3FB4] =	sst s6  }
0xf: {  	[smem:$0x3FB5] =	sst s7  }
0x10: {  	[smem:$0x3FB6] =	sst s8  }
0x11: {  	[smem:$0x3FB7] =	sst s9;
	s0 =	simm.s32 @!p0 $0x0  }
0x12: {  	s1 =	sld [smem:$0x3F9D];
	s0 =	simm.s32 @p0 $0x1  }
0x13: {  	[smem:$0x3FB8] =	sst s0;
	s0 =	simm.s32 @!p1 $0x0  }
0x14: {  	s2 =	sld [smem:$0x3F9C];
	s0 =	simm.s32 @p1 $0x1  }
0x15: {  	[smem:$0x3FB9] =	sst s0;
	s0 =	simm.s32 @!p2 $0x0  }
0x16: {  	s3 =	sld [smem:$0x3FDB];
	s0 =	simm.s32 @p2 $0x1  }
0x17: {  	s4 =	simm.s32 $0x1BF5;
	[smem:$0x3FBB] =	sst s0  }
0x18: {  	s0 =	sld [smem:$0x3F9E];
	_ =	swait.ge [sflag:s4], $0x0  }
0x19: {  	s7 =	sld [smem:$0x3F9F]  }
0x1a: {  	s8 =	sadd.s32 $0xFFFFE003, lr  }
0x1b: {  	s9 =	sadd.s32 $0xFFFFFEF7, lr;
	s5 =	simm.s32 $0xFFFFFFFF;
	p2 =	slt.u32 s8, $0xFFFFF086  }
0x1c: {  	p1 =	slt.u32 s9, $0xF7A;
	s5 =	simm.s32 @!p2 $0x0  }
0x1d: {  	s5 =	simm.s32 @p1 $0x1;
	p0 =	seq.s32 s7, s2  }
0x1e: {  	s7 =	smul.u32 @!p0 $0xF7A, s2;
	p2 =	seq.s32 @!p0 s5, $0x0  }
0x1f: {  	s9 =	smul.u32 $0xF7A, s1;
	s8 =	simm.s32 @!p0 $0x1BF5;
	p2 =	por !p2, p0  }
0x20: {  	[sflag:s8] =	ssyncset.s32 @!p0 $0xFFFFF086;
	s6 =	sadd.s32 @!p0 s3, s7;
	s7 =	simm.s32 @!p0 $0x108  }
0x21: {  	s3 =	sadd.s32 s3, s9;
	s6 =	sadd.s32 @!p0 $0x88, s6;
	s7 =	simm.s32 @p2 $0x1082  }
0x22: {  	[simem:s7], [sflag:s8] =	dma.local @!p0 [hbm:s6], $0xF7A  }
0x23: {  	s9 =	sor.u32 $0xD0000000, s2;
	s6 =	simm.s32 $0x108;
	_ =	swait.ge @!p0 [sflag:s8], $0x0  }
0x24: {  	s3 =	sadd.s32 $0x88, s3;
	s6 =	simm.s32 @!p1 $0x1082;
	[sflag:s4] =	ssyncset.s32 $0xFFFFF086  }
0x25: {  	[simem:s6], [sflag:s4] =	dma.local [hbm:s3], $0xF7A  }
0x26: {  	[smem:$0x3F9F] =	sst s1;
	(tag) =	ssettag s2;
	_ =	strace s9  }
0x27: {  	s1 =	sld [smem:$0x3FAF]  }
0x28: {  	s2 =	sld [smem:$0x3FB0]  }
0x29: {  	s4 =	sld [smem:$0x3FB2]  }
0x2a: {  	p0 =	seq.s32 s5, $0x0;
	s5 =	sld [smem:$0x3FB3]  }
0x2b: {  	s6 =	sld [smem:$0x3FB4]  }
0x2c: {  	s7 =	sld [smem:$0x3FB5]  }
0x2d: {  	s3 =	simm.s32 $0x108;
	s8 =	sld [smem:$0x3FB6]  }
0x2e: {  	s3 =	simm.s32 @!p0 $0x1082;
	s9 =	sld [smem:$0x3FB7]  }
0x2f: {  	lr =	sadd.s32 s0, s3;
	s0 =	sld [smem:$0x3FAE]  }
0x30: {  	s3 =	sld [smem:$0x3FB1]  }
0x31: {  	[smem:$0x3FBA] =	sst s10  }
0x32: {  	s10 =	sld [smem:$0x3FB8];
	_ =	sdelay $0x3  }
0x33: {  	p0 =	seq.s32 s10, $0x1;
	s10 =	sld [smem:$0x3FBA];
	_ =	sdelay $0x3  }
0x34: {  	[smem:$0x3FBA] =	sst s10  }
0x35: {  	s10 =	sld [smem:$0x3FB9];
	_ =	sdelay $0x3  }
0x36: {  	p1 =	seq.s32 s10, $0x1;
	s10 =	sld [smem:$0x3FBA];
	_ =	sdelay $0x3  }
0x37: {  	[smem:$0x3FBA] =	sst s10  }
0x38: {  	s10 =	sld [smem:$0x3FBB]  }
0x39: {  	_ = 	snop;
	(pc) =	sbr.ind lr, $3  }
0x3a: {  	_ = 	snop  }
0x3b: {  	_ = 	snop  }
0x3c: {  	p2 =	seq.s32 s10, $0x1;
	s10 =	sld [smem:$0x3FBA]  }
0x3d: {  	_ =	shalt  }
0x3e: {  	_ =	shalt  }
0x3f: {  	_ =	shalt  }
0x40: {  	_ =	shalt  }
0x41: {  	_ =	shalt  }
0x42: {  	_ =	shalt  }
0x43: {  	_ =	shalt  }
0x44: {  	_ =	shalt  }
0x45: {  	_ =	shalt  }
0x46: {  	_ =	shalt  }
0x47: {  	_ =	shalt  }
0x48: {  	_ =	shalt  }
0x49: {  	_ =	shalt  }
0x4a: {  	_ =	shalt  }
0x4b: {  	_ =	shalt  }
0x4c: {  	_ =	shalt  }
0x4d: {  	_ =	shalt  }
0x4e: {  	_ =	shalt  }
0x4f: {  	_ =	shalt  }
0x50: {  	_ =	shalt  }
0x51: {  	_ =	shalt  }
0x52: {  	_ =	shalt  }
0x53: {  	_ =	shalt  }
0x54: {  	_ =	shalt  }
0x55: {  	_ =	shalt  }
0x56: {  	_ =	shalt  }
0x57: {  	_ =	shalt  }
0x58: {  	_ =	shalt  }
0x59: {  	_ =	shalt  }
0x5a: {  	_ =	shalt  }
0x5b: {  	_ =	shalt  }
0x5c: {  	_ =	shalt  }
0x5d: {  	_ =	shalt  }
0x5e: {  	_ =	shalt  }
0x5f: {  	_ =	shalt  }
0x60: {  	_ =	shalt  }
0x61: {  	_ =	shalt  }
0x62: {  	_ =	shalt  }
0x63: {  	_ =	shalt  }
0x64: {  	_ =	shalt  }
0x65: {  	_ =	shalt  }
0x66: {  	_ =	shalt  }
0x67: {  	_ =	shalt  }
0x68: {  	_ =	shalt  }
0x69: {  	_ =	shalt  }
0x6a: {  	_ =	shalt  }
0x6b: {  	_ =	shalt  }
0x6c: {  	_ =	shalt  }
0x6d: {  	_ =	shalt  }
0x6e: {  	_ =	shalt  }
0x6f: {  	_ =	shalt  }
0x70: {  	_ =	shalt  }
0x71: {  	_ =	shalt  }
0x72: {  	_ =	shalt  }
0x73: {  	_ =	shalt  }
0x74: {  	_ =	shalt  }
0x75: {  	_ =	shalt  }
0x76: {  	_ =	shalt  }
0x77: {  	_ =	shalt  }
0x78: {  	_ =	shalt  }
0x79: {  	_ =	shalt  }
0x7a: {  	_ =	shalt  }
0x7b: {  	_ =	shalt  }
0x7c: {  	_ =	shalt  }
0x7d: {  	_ =	shalt  }
0x7e: {  	_ =	shalt  }
0x7f: {  	_ =	shalt  }
0x80: {  	_ =	shalt  }
0x81: {  	_ =	shalt  }
0x82: {  	_ =	shalt  }
0x83: {  	_ =	shalt  }
0x84: {  	_ =	shalt  }
0x85: {  	_ =	shalt  }
0x86: {  	_ =	shalt  }
0x87: {  	_ =	shalt  }
.Lfunc_end0:
.L_simem_size_0:
called_computation_lowered:
.L_overlay_start_0:
0x88: {  	s2 =	sld [smem:$0x3FD9]  }
0x89: {  	s3 =	sld [smem:$0x3FFE];
	_ =	sdelay $0x1  }
0x8a: {  	s1 =	srdreg.scid  }
0x8b: {  	s0 =	sand.u32 $0x1, s1  }
0x8c: {  	s17 =	sshll.u32 s0, $0xA;
	s2 =	sadd.s32 s3, s2  }
0x8d: {  	s2 =	sadd.s32 s2, s17  }
0x8e: {  	[smem:$0x3FC6] =	sst s2  }
0x8f: {  	_ = 	snop  }
0x90: {  	s2 =	sld [smem:$0x3FC8]  }
0x91: {  	s18 =	sld [smem:$0x3FD0];
	(tm) =	ssettm $0x1  }
0x92: {  	s4 =	sld [smem:$0x3FFB];
	_ =	sdelay $0x3  }
0x93: {  	_ =	strace s4  }
0x94: {  	s4 =	sld [smem:$0x3FFC];
	_ =	sdelay $0x3  }
0x95: {  	_ =	strace s4  }
0x96: {  	s4 =	sld [smem:$0x3FFD];
	_ =	sdelay $0x3  }
0x97: {  	_ =	strace s4  }
0x98: {  	_ =	strace $0x8FFFFFFF  }
0x99: {  	s19 =	sld [smem:$0x3FDB];
	_ =	sdelay $0x1  }
0x9a: {  	s5 =	simm.s32 $_scs_section_size  }
0x9b: {  	s6 =	simm.s32 $_size__tile_overlayer_lowered;
	s7 =	simm.s32 $_tile_overlayer_lowered  }
0x9c: {  	s22 =	simm.s32 $0x1BFF;
	s21 =	sshll.u32 s7, $0x1;
	s4 =	sadd.s32 s5, s19  }
0x9d: {  	s8 =	simm.s32 $0x0;
	s20 =	sshll.u32 s6, $0x1;
	s6 =	sadd.s32 s21, s4  }
0x9e: {  	[timem:s8], [sflag:s22] =	dma.local [hbm:s6], s20  }
0x9f: {  	_ =	swait.ge [sflag:s22], s20  }
0xa0: {  	s5 =	ssub.s32 $0x0, s20;
	[sflag:s22] =	ssyncset.done $0x0  }
0xa1: {  	[sflag:s22] =	ssyncadd.s32 s5;
	_ =	sdelay $0x1  }
0xa2: {  	s23 =	simm.s32 $0x1B8B  }
0xa3: {  	_ =	swait.ge [sflag:s23], $0x1  }
0xa4: {  	[sflag:s23] =	ssyncset.done $0x0  }
0xa5: {  	s25 =	simm.s32 $0x1B8E;
	s24 =	sld [smem:$0x3FFE];
	[sflag:s23] =	ssyncadd.s32 $0xFFFFFFFF  }
0xa6: {  	s26 =	simm.s32 $execute0_lowered;
	[smem:$0x3FD2] =	sst s25  }
0xa7: {  	s6 =	sshll.u32 s26, $0x1;
	_ =	strace $0x80000046;
	[dreg:$0x1] =	wrdreg $0xFFFFFFFF  }
0xa8: {  	s28 =	simm.s32 $_size_execute0_lowered;
	s4 =	sadd.s32 s4, s6;
	[dreg:$0x0] =	wrdreg $0x0  }
0xa9: {  	s6 =	sshll.u32 s28, $0x1;
	[dreg:$0x2] =	wrdreg s4  }
0xaa: {  	[dreg:$0x3] =	wrdreg s6  }
0xab: {  	[dreg:$0x4] =	wrdreg $0xC0  }
0xac: {  	_ =	task [dreg:s8], $0x5FFFF  }
0xad: {  	[dreg:$0x1] =	wrdreg $0xFFFFFFFF  }
0xae: {  	[dreg:$0x0] =	wrdreg $0x60  }
0xaf: {  	[dreg:$0x2] =	wrdreg s2  }
0xb0: {  	[dreg:$0x3] =	wrdreg s24  }
0xb1: {  	[dreg:$0x4] =	wrdreg s18  }
0xb2: {  	[dreg:$0x5] =	wrdreg $0x9  }
0xb3: {  	_ =	task.clear_ibuf [dreg:s8], $0x6FFFF;
	_ =	strace $0x90000046  }
0xb4: {  	s29 =	simm.s32 $0x9;
	_ =	strace $0x80000048  }
0xb5: {  	_ =	swait.ge [sflag:s29], $0x1  }
0xb6: {  	[sflag:s29] =	ssyncadd.s32 $0xFFFFFFFF  }
0xb7: {  	_ =	strace $0x90000048  }
0xb8: {  	_ =	sfence  }
0xb9: {  	s30 =	sld [smem:$0x0];
	_ =	sdelay $0x2  }
0xba: {  	s31 =	sshll.u32 s1, $0xD;
	s1 =	sshrl.u32 s1, $0x2  }
0xbb: {  	s3 =	sand.u32 $0x4000, s31;
	s1 =	sadd.s32 s1, s30  }
0xbc: {  	s0 =	sor.u32 s3, s0;
	s1 =	sshll.u32 s1, $0x11  }
0xbd: {  	s0 =	sor.u32 s1, s0  }
0xbe: {  	s0 =	sadd.s32 $0x8F2B, s0  }
0xbf: {  	[sflag:s0] =	ssyncadd.remote.s32 $0x1  }
0xc0: {  	_ =	sfence.sel $0xFFFF  }
0xc1: {  	[dreg:$0x0] =	wrdreg $0xFFFFFFFF;
	(pc) =	sbr.abs _section_cstart, $3  }
0xc2: {  	[dreg:$0x1] =	wrdreg $0xFFFFFFFF  }
0xc3: {  	_ =	task.clear_ibuf [dreg:s8], $0x2FFFF;
	_ =	strace $0x9FFFFFFF  }
0xc4: {  	(tm) =	ssettm $0x7FFFFFFF  }
0xc5: {  	_ =	shalt  }
tec
execute0_lowered:
.L_overlay_start_1:
0x0: {  	(tag) =	ssettag $0x1  }
0x1: {  	s2 =	rddreg [dreg:$0x0]  }
0x2: {  	s0 =	rddreg [dreg:$0x1];
	s1 =	srdreg.scid  }
0x3: {  	s4 =	rddreg [dreg:$0x2];
	s10 =	stileid.u32  }
0x4: {  	s3 =	simm.s32 $0x0;
	s31 =	simm.s32 $0x2C00;
	s12 =	simm.s32 $0x3400  }
0x5: {  	s13 =	simm.s32 $0x3C00;
	s15 =	simm.s32 $0x4C00;
	s16 =	simm.s32 $0x5400  }
0x6: {  	s17 =	simm.s32 $0x5C00;
	s14 =	simm.s32 $0x7400;
	s11 =	simm.s32 $0x8400  }
0x7: {  	s28 =	simm.s32 $0x4;
	s29 =	simm.s32 $0x7;
	s30 =	simm.s32 $0x8  }
0x8: {  	s1 =	sand.u32 $0x1, s1;
	s5 =	sshll.u32 s10, $0xB;
	[smem:$0x7FF] =	sst s3  }
0x9: {  	s20 =	sshll.u32 s10, $0x12;
	s10 =	simm.s32 $0x2400;
	s6 =	sshll.u32 s1, $0xA  }
0xa: {  	s18 =	ssub.s32 $0x2, s1;
	_ =	strace $0x80000047;
	s22 =	sadd.s32 s20, s4  }
0xb: {  	s1 =	sshll.u32 s1, $0x11;
	s20 =	simm.s32 $0x400;
	s8 =	sor.u32 s6, s5  }
0xc: {  	s7 =	sshrl.u32 s18, $0x1;
	s5 =	sadd.s32 $0x100, s2;
	s6 =	sshrl.u32 s8, $0x3  }
0xd: {  	s9 =	ssub.s32 s18, s7;
	s7 =	sadd.s32 $0x300, s2;
	s19 =	sshll.u32 s8, $0x7  }
0xe: {  	s18 =	simm.s32 $0x6400;
	s8 =	simm.s32 $0xC400;
	s0 =	sadd.s32 s6, s0  }
0xf: {  	s6 =	sadd.s32 $0x200, s2;
	s21 =	sadd.s32 s4, s19;
	s26 =	smax.u32 s9, $0x1  }
0x10: {  	s4 =	simm.s32 $0xC00;
	s9 =	simm.s32 $0x1400;
	[dreg:$0x6] =	wrdreg s21  }
0x11: {  	s19 =	simm.s32 $0x6C00;
	s0 =	sadd.s32 $0x400, s0;
	[dreg:$0xa] =	wrdreg s26  }
0x12: {  	s23 =	sadd.s32 $0x800, s21;
	s24 =	sadd.s32 $0x1F000, s21;
	[dreg:$0x5] =	wrdreg s0  }
0x13: {  	s25 =	sadd.s32 $0x1F800, s21;
	s21 =	simm.s32 $0x1;
	[dreg:$0x7] =	wrdreg s23  }
0x14: {  	s26 =	simm.s32 $0x6;
	[dreg:$0x8] =	wrdreg s24;
	s0 =	sadd.s32 s1, s22  }
0x15: {  	v2 =	vlaneseq.u32;
	[dreg:$0x9] =	wrdreg s25;
	s1 =	simm.s32 $0x1C00;
	s22 =	simm.s32 $0x4400  }
0x16: {  	vm0 =	vmmov $0xffff;
	v1 =	vshrl.u32 v2, $0x3;
	s23 =	simm.s32 $0x2;
	[dreg:$0x4] =	wrdreg s0;
	s0 =	simm.s32 $0x0  }
0x17: {  	v0 =	vand.u32 $0x7, v2;
	v2 =	vor.u32 $0x8, v2;
	v1 =	vmul.u32 $0x8, v1;
	s24 =	simm.s32 $0x5;
	s25 =	simm.s32 $0x3;
	[dreg:$0xb] =	wrdreg s0  }
.LBB2_1:
0x18: {  	s0 =	rddreg [dreg:$0x5]  }
0x19: {  	[tilespmem:s3], [sflag:$0x9] =	stream.linear.gather [hbm4b:s0+s3], $0x400, $0x38;
	[tilespmem:$0x10400] =	vst v63  }
0x1a: {  	s0 =	simm.s32 $0x9  }
0x1b: {  	_ =	swait.ge [sflag:s0], $0x400  }
0x1c: {  	[sflag:s0] =	ssyncset.done $0x0  }
0x1d: {  	[sflag:s0] =	ssyncadd.s32 $0xFFFFFC00  }
0x1e: {  	v3 =	vld [tilespmem:$0x0];
	_ =	sdelay $0x4  }
0x1f: {  	v4 =	vshll.u32 v3, $0x3  }
0x20: {  	v3 =	vand.u32 $0x7, v3;
	v4 =	vand.u32 $0xFFFFFFC0, v4  }
0x21: {  	v3 =	vor.u32 v3, v4  }
0x22: {  	v4 =	vperm.xlane v3, v0;
	_ =	sdelay $0x1  }
0x23: {  	v4 =	vadd.s32 v1, v4;
	_ =	sdelay $0x4  }
0x24: {  	[tilespmem:s20], [sflag:$0x1] =	stream.indirect_vreg.gather [hbm4b:s2+s3], $0x80, v4, vm0, $0xb8;
	[tilespmem:$0x10400] =	vst v63  }
0x25: {  	v3 =	vperm.xlane v3, v2  }
0x26: {  	[tilespmem:s4], [sflag:$0x1] =	stream.indirect_vreg.gather [hbm4b:s5+s3], $0x80, v4, vm0, $0xb8;
	[tilespmem:$0x10400] =	vst v63  }
0x27: {  	v3 =	vadd.s32 v1, v3  }
0x28: {  	[tilespmem:s9], [sflag:$0x1] =	stream.indirect_vreg.gather [hbm4b:s6+s3], $0x80, v4, vm0, $0xb8;
	[tilespmem:$0x10400] =	vst v63  }
0x29: {  	_ = 	snop  }
0x2a: {  	[tilespmem:s1], [sflag:$0x1] =	stream.indirect_vreg.gather [hbm4b:s7+s3], $0x80, v4, vm0, $0xb8;
	[tilespmem:$0x10400] =	vst v63  }
0x2b: {  	_ = 	snop  }
0x2c: {  	[tilespmem:s10], [sflag:$0x1] =	stream.indirect_vreg.gather [hbm4b:s2+s3], $0x80, v3, vm0, $0xb8;
	[tilespmem:$0x10400] =	vst v63  }
0x2d: {  	_ = 	snop  }
0x2e: {  	[tilespmem:s31], [sflag:$0x1] =	stream.indirect_vreg.gather [hbm4b:s5+s3], $0x80, v3, vm0, $0xb8;
	[tilespmem:$0x10400] =	vst v63  }
0x2f: {  	_ = 	snop  }
0x30: {  	[tilespmem:s12], [sflag:$0x1] =	stream.indirect_vreg.gather [hbm4b:s6+s3], $0x80, v3, vm0, $0xb8;
	[tilespmem:$0x10400] =	vst v63  }
0x31: {  	_ = 	snop  }
0x32: {  	[tilespmem:s13], [sflag:$0x1] =	stream.indirect_vreg.gather [hbm4b:s7+s3], $0x80, v3, vm0, $0xb8;
	[tilespmem:$0x10400] =	vst v63  }
0x33: {  	v3 =	vld [tilespmem:$0x10];
	_ =	sdelay $0x4  }
0x34: {  	v61 =	vshll.u32 v3, $0x3  }
0x35: {  	v3 =	vand.u32 $0x7, v3;
	v4 =	vand.u32 $0xFFFFFFC0, v61  }
0x36: {  	v3 =	vor.u32 v3, v4  }
0x37: {  	v4 =	vperm.xlane v3, v0;
	_ =	sdelay $0x1  }
0x38: {  	v4 =	vadd.s32 v1, v4;
	_ =	sdelay $0x4  }
0x39: {  	[tilespmem:s22], [sflag:$0x2] =	stream.indirect_vreg.gather [hbm4b:s2+s3], $0x80, v4, vm0, $0xb8;
	[tilespmem:$0x10400] =	vst v63  }
0x3a: {  	v3 =	vperm.xlane v3, v2  }
0x3b: {  	[tilespmem:s15], [sflag:$0x2] =	stream.indirect_vreg.gather [hbm4b:s5+s3], $0x80, v4, vm0, $0xb8;
	[tilespmem:$0x10400] =	vst v63  }
0x3c: {  	v3 =	vadd.s32 v1, v3  }
0x3d: {  	[tilespmem:s16], [sflag:$0x2] =	stream.indirect_vreg.gather [hbm4b:s6+s3], $0x80, v4, vm0, $0xb8;
	[tilespmem:$0x10400] =	vst v63  }
0x3e: {  	_ = 	snop  }
0x3f: {  	[tilespmem:s17], [sflag:$0x2] =	stream.indirect_vreg.gather [hbm4b:s7+s3], $0x80, v4, vm0, $0xb8;
	[tilespmem:$0x10400] =	vst v63  }
0x40: {  	_ = 	snop  }
0x41: {  	[tilespmem:s18], [sflag:$0x2] =	stream.indirect_vreg.gather [hbm4b:s2+s3], $0x80, v3, vm0, $0xb8;
	[tilespmem:$0x10400] =	vst v63  }
0x42: {  	_ = 	snop  }
0x43: {  	[tilespmem:s19], [sflag:$0x2] =	stream.indirect_vreg.gather [hbm4b:s5+s3], $0x80, v3, vm0, $0xb8;
	[tilespmem:$0x10400] =	vst v63  }
0x44: {  	_ = 	snop  }
0x45: {  	[tilespmem:s14], [sflag:$0x2] =	stream.indirect_vreg.gather [hbm4b:s6+s3], $0x80, v3, vm0, $0xb8;
	[tilespmem:$0x10400] =	vst v63  }
0x46: {  	s15 =	simm.s32 $0x7C00  }
0x47: {  	[tilespmem:s15], [sflag:$0x2] =	stream.indirect_vreg.gather [hbm4b:s7+s3], $0x80, v3, vm0, $0xb8;
	[tilespmem:$0x10400] =	vst v63  }
0x48: {  	v3 =	vld [tilespmem:$0x20];
	_ =	sdelay $0x4  }
0x49: {  	v62 =	vshll.u32 v3, $0x3  }
0x4a: {  	v3 =	vand.u32 $0x7, v3;
	v4 =	vand.u32 $0xFFFFFFC0, v62  }
0x4b: {  	v3 =	vor.u32 v3, v4  }
0x4c: {  	v4 =	vperm.xlane v3, v0;
	_ =	sdelay $0x1  }
0x4d: {  	v4 =	vadd.s32 v1, v4;
	_ =	sdelay $0x4  }
0x4e: {  	[tilespmem:s11], [sflag:$0x3] =	stream.indirect_vreg.gather [hbm4b:s2+s3], $0x80, v4, vm0, $0xb8;
	[tilespmem:$0x10400] =	vst v63  }
0x4f: {  	s16 =	simm.s32 $0x8C00;
	v3 =	vperm.xlane v3, v2  }
0x50: {  	[tilespmem:s16], [sflag:$0x3] =	stream.indirect_vreg.gather [hbm4b:s5+s3], $0x80, v4, vm0, $0xb8;
	[tilespmem:$0x10400] =	vst v63  }
0x51: {  	s17 =	simm.s32 $0x9400;
	v3 =	vadd.s32 v1, v3  }
0x52: {  	[tilespmem:s17], [sflag:$0x3] =	stream.indirect_vreg.gather [hbm4b:s6+s3], $0x80, v4, vm0, $0xb8;
	[tilespmem:$0x10400] =	vst v63  }
0x53: {  	s18 =	simm.s32 $0x9C00  }
0x54: {  	[tilespmem:s18], [sflag:$0x3] =	stream.indirect_vreg.gather [hbm4b:s7+s3], $0x80, v4, vm0, $0xb8;
	[tilespmem:$0x10400] =	vst v63  }
0x55: {  	s19 =	simm.s32 $0xA400  }
0x56: {  	[tilespmem:s19], [sflag:$0x3] =	stream.indirect_vreg.gather [hbm4b:s2+s3], $0x80, v3, vm0, $0xb8;
	[tilespmem:$0x10400] =	vst v63  }
0x57: {  	s1 =	simm.s32 $0xAC00  }
0x58: {  	[tilespmem:s1], [sflag:$0x3] =	stream.indirect_vreg.gather [hbm4b:s5+s3], $0x80, v3, vm0, $0xb8;
	[tilespmem:$0x10400] =	vst v63  }
0x59: {  	s10 =	simm.s32 $0xB400  }
0x5a: {  	[tilespmem:s10], [sflag:$0x3] =	stream.indirect_vreg.gather [hbm4b:s6+s3], $0x80, v3, vm0, $0xb8;
	[tilespmem:$0x10400] =	vst v63  }
0x5b: {  	s11 =	simm.s32 $0xBC00  }
0x5c: {  	[tilespmem:s11], [sflag:$0x3] =	stream.indirect_vreg.gather [hbm4b:s7+s3], $0x80, v3, vm0, $0xb8;
	[tilespmem:$0x10400] =	vst v63  }
0x5d: {  	v3 =	vld [tilespmem:$0x30];
	_ =	sdelay $0x4  }
0x5e: {  	v63 =	vshll.u32 v3, $0x3  }
0x5f: {  	v3 =	vand.u32 $0x7, v3;
	v4 =	vand.u32 $0xFFFFFFC0, v63  }
0x60: {  	v3 =	vor.u32 v3, v4  }
0x61: {  	v4 =	vperm.xlane v3, v0;
	_ =	sdelay $0x1  }
0x62: {  	v4 =	vadd.s32 v1, v4;
	_ =	sdelay $0x4  }
0x63: {  	[tilespmem:s8], [sflag:$0x4] =	stream.indirect_vreg.gather [hbm4b:s2+s3], $0x80, v4, vm0, $0xb8;
	[tilespmem:$0x10400] =	vst v63  }
0x64: {  	s12 =	simm.s32 $0xCC00;
	v3 =	vperm.xlane v3, v2  }
0x65: {  	[tilespmem:s12], [sflag:$0x4] =	stream.indirect_vreg.gather [hbm4b:s5+s3], $0x80, v4, vm0, $0xb8;
	[tilespmem:$0x10400] =	vst v63  }
0x66: {  	s13 =	simm.s32 $0xD400;
	v3 =	vadd.s32 v1, v3  }
0x67: {  	[tilespmem:s13], [sflag:$0x4] =	stream.indirect_vreg.gather [hbm4b:s6+s3], $0x80, v4, vm0, $0xb8;
	[tilespmem:$0x10400] =	vst v63  }
0x68: {  	s14 =	simm.s32 $0xDC00  }
0x69: {  	[tilespmem:s14], [sflag:$0x4] =	stream.indirect_vreg.gather [hbm4b:s7+s3], $0x80, v4, vm0, $0xb8;
	[tilespmem:$0x10400] =	vst v63  }
0x6a: {  	s15 =	simm.s32 $0xE400  }
0x6b: {  	[tilespmem:s15], [sflag:$0x4] =	stream.indirect_vreg.gather [hbm4b:s2+s3], $0x80, v3, vm0, $0xb8;
	[tilespmem:$0x10400] =	vst v63  }
0x6c: {  	s16 =	simm.s32 $0xEC00  }
0x6d: {  	[tilespmem:s16], [sflag:$0x4] =	stream.indirect_vreg.gather [hbm4b:s5+s3], $0x80, v3, vm0, $0xb8;
	[tilespmem:$0x10400] =	vst v63  }
0x6e: {  	s17 =	simm.s32 $0xF400  }
0x6f: {  	[tilespmem:s17], [sflag:$0x4] =	stream.indirect_vreg.gather [hbm4b:s6+s3], $0x80, v3, vm0, $0xb8;
	[tilespmem:$0x10400] =	vst v63  }
0x70: {  	s18 =	simm.s32 $0xFC00  }
0x71: {  	[tilespmem:s18], [sflag:$0x4] =	stream.indirect_vreg.gather [hbm4b:s7+s3], $0x80, v3, vm0, $0xb8;
	[tilespmem:$0x10400] =	vst v63  }
0x72: {  	s0 =	simm.s32 $0x70;
	s31 =	simm.s32 $0x4400;
	_ =	swait.ge [sflag:s21], $0x4000  }
0x73: {  	s1 =	simm.s32 $0x0;
	s10 =	simm.s32 $0x1C00;
	[sflag:s21] =	ssyncset.done $0x0  }
0x74: {  	s12 =	simm.s32 $0x2C00;
	s19 =	rddreg [dreg:$0x6];
	[sflag:s21] =	ssyncadd.s32 $0xFFFFC000  }
0x75: {  	[hbm4b:s19+s3] =	stream.linear.scatter [tilespmem:s20], [sflag:$0x5], $0x4000, $0x38;
	[tilespmem:$0x10400] =	vst v63  }
0x76: {  	s14 =	simm.s32 $0x7400;
	s15 =	simm.s32 $0x3C00;
	_ =	swait.ge [sflag:s23], $0x4000  }
0x77: {  	s16 =	simm.s32 $0x4C00;
	s17 =	simm.s32 $0x5400;
	[sflag:s23] =	ssyncset.done $0x0  }
0x78: {  	s18 =	simm.s32 $0x5C00;
	s20 =	rddreg [dreg:$0x7];
	[sflag:s23] =	ssyncadd.s32 $0xFFFFC000  }
0x79: {  	[hbm4b:s20+s3] =	stream.linear.scatter [tilespmem:s22], [sflag:$0x6], $0x4000, $0x38;
	[tilespmem:$0x10400] =	vst v63  }
0x7a: {  	s19 =	simm.s32 $0x6400;
	s22 =	simm.s32 $0x400;
	s20 =	simm.s32 $0x6C00  }
.LBB2_2:
0x7b: {  	_ =	swait.ge [sflag:s24], $0x4000  }
0x7c: {  	[sflag:s24] =	ssyncset.done $0x0  }
0x7d: {  	[sflag:s24] =	ssyncadd.s32 $0xFFFFC000  }
0x7e: {  	v3 =	vld [tilespmem:s0+$0xFFFFFFD0];
	_ =	sdelay $0x4  }
0x7f: {  	v4 =	vshll.u32 v3, $0x3  }
0x80: {  	v3 =	vand.u32 $0x7, v3;
	v4 =	vand.u32 $0xFFFFFFC0, v4  }
0x81: {  	v3 =	vor.u32 v3, v4  }
0x82: {  	v4 =	vperm.xlane v3, v0;
	_ =	sdelay $0x1  }
0x83: {  	v4 =	vadd.s32 v1, v4;
	_ =	sdelay $0x4  }
0x84: {  	[tilespmem:s22], [sflag:$0x1] =	stream.indirect_vreg.gather [hbm4b:s2+s3], $0x80, v4, vm0, $0xb8;
	[tilespmem:$0x10400] =	vst v63  }
0x85: {  	v3 =	vperm.xlane v3, v2  }
0x86: {  	[tilespmem:s4], [sflag:$0x1] =	stream.indirect_vreg.gather [hbm4b:s5+s3], $0x80, v4, vm0, $0xb8;
	[tilespmem:$0x10400] =	vst v63  }
0x87: {  	v3 =	vadd.s32 v1, v3  }
0x88: {  	[tilespmem:s9], [sflag:$0x1] =	stream.indirect_vreg.gather [hbm4b:s6+s3], $0x80, v4, vm0, $0xb8;
	[tilespmem:$0x10400] =	vst v63  }
0x89: {  	_ = 	snop  }
0x8a: {  	[tilespmem:s10], [sflag:$0x1] =	stream.indirect_vreg.gather [hbm4b:s7+s3], $0x80, v4, vm0, $0xb8;
	[tilespmem:$0x10400] =	vst v63  }
0x8b: {  	s11 =	simm.s32 $0x2400  }
0x8c: {  	[tilespmem:s11], [sflag:$0x1] =	stream.indirect_vreg.gather [hbm4b:s2+s3], $0x80, v3, vm0, $0xb8;
	[tilespmem:$0x10400] =	vst v63  }
0x8d: {  	_ = 	snop  }
0x8e: {  	[tilespmem:s12], [sflag:$0x1] =	stream.indirect_vreg.gather [hbm4b:s5+s3], $0x80, v3, vm0, $0xb8;
	[tilespmem:$0x10400] =	vst v63  }
0x8f: {  	s13 =	simm.s32 $0x3400  }
0x90: {  	[tilespmem:s13], [sflag:$0x1] =	stream.indirect_vreg.gather [hbm4b:s6+s3], $0x80, v3, vm0, $0xb8;
	[tilespmem:$0x10400] =	vst v63  }
0x91: {  	_ = 	snop  }
0x92: {  	[tilespmem:s15], [sflag:$0x1] =	stream.indirect_vreg.gather [hbm4b:s7+s3], $0x80, v3, vm0, $0xb8;
	[tilespmem:$0x10400] =	vst v63  }
0x93: {  	_ =	swait.ge [sflag:s25], $0x4000  }
0x94: {  	s9 =	rddreg [dreg:$0x4]  }
0x95: {  	[sflag:s25] =	ssyncset.done $0x0;
	s4 =	sadd.s32 s1, s9  }
0x96: {  	s13 =	simm.s32 $0x8400;
	[sflag:s25] =	ssyncadd.s32 $0xFFFFC000;
	s11 =	sadd.s32 $0x1000, s4  }
0x97: {  	[hbm4b:s11+s3] =	stream.linear.scatter [tilespmem:s13], [sflag:$0x7], $0x4000, $0x38;
	[tilespmem:$0x10400] =	vst v63  }
0x98: {  	_ =	swait.ge [sflag:s26], $0x4000  }
0x99: {  	[sflag:s26] =	ssyncset.done $0x0  }
0x9a: {  	[sflag:s26] =	ssyncadd.s32 $0xFFFFC000  }
0x9b: {  	v3 =	vld [tilespmem:s0+$0xFFFFFFE0];
	_ =	sdelay $0x4  }
0x9c: {  	v61 =	vshll.u32 v3, $0x3  }
0x9d: {  	v3 =	vand.u32 $0x7, v3;
	v4 =	vand.u32 $0xFFFFFFC0, v61  }
0x9e: {  	v3 =	vor.u32 v3, v4  }
0x9f: {  	v4 =	vperm.xlane v3, v0;
	_ =	sdelay $0x1  }
0xa0: {  	v4 =	vadd.s32 v1, v4;
	_ =	sdelay $0x4  }
0xa1: {  	[tilespmem:s31], [sflag:$0x2] =	stream.indirect_vreg.gather [hbm4b:s2+s3], $0x80, v4, vm0, $0xb8;
	[tilespmem:$0x10400] =	vst v63  }
0xa2: {  	v3 =	vperm.xlane v3, v2  }
0xa3: {  	[tilespmem:s16], [sflag:$0x2] =	stream.indirect_vreg.gather [hbm4b:s5+s3], $0x80, v4, vm0, $0xb8;
	[tilespmem:$0x10400] =	vst v63  }
0xa4: {  	v3 =	vadd.s32 v1, v3  }
0xa5: {  	[tilespmem:s17], [sflag:$0x2] =	stream.indirect_vreg.gather [hbm4b:s6+s3], $0x80, v4, vm0, $0xb8;
	[tilespmem:$0x10400] =	vst v63  }
0xa6: {  	_ = 	snop  }
0xa7: {  	[tilespmem:s18], [sflag:$0x2] =	stream.indirect_vreg.gather [hbm4b:s7+s3], $0x80, v4, vm0, $0xb8;
	[tilespmem:$0x10400] =	vst v63  }
0xa8: {  	_ = 	snop  }
0xa9: {  	[tilespmem:s19], [sflag:$0x2] =	stream.indirect_vreg.gather [hbm4b:s2+s3], $0x80, v3, vm0, $0xb8;
	[tilespmem:$0x10400] =	vst v63  }
0xaa: {  	_ = 	snop  }
0xab: {  	[tilespmem:s20], [sflag:$0x2] =	stream.indirect_vreg.gather [hbm4b:s5+s3], $0x80, v3, vm0, $0xb8;
	[tilespmem:$0x10400] =	vst v63  }
0xac: {  	_ = 	snop  }
0xad: {  	[tilespmem:s14], [sflag:$0x2] =	stream.indirect_vreg.gather [hbm4b:s6+s3], $0x80, v3, vm0, $0xb8;
	[tilespmem:$0x10400] =	vst v63  }
0xae: {  	s11 =	simm.s32 $0x7C00  }
0xaf: {  	[tilespmem:s11], [sflag:$0x2] =	stream.indirect_vreg.gather [hbm4b:s7+s3], $0x80, v3, vm0, $0xb8;
	[tilespmem:$0x10400] =	vst v63  }
0xb0: {  	_ =	swait.ge [sflag:s28], $0x4000  }
0xb1: {  	[sflag:s28] =	ssyncset.done $0x0  }
0xb2: {  	s11 =	sadd.s32 $0x1800, s4;
	[sflag:s28] =	ssyncadd.s32 $0xFFFFC000  }
0xb3: {  	[hbm4b:s11+s3] =	stream.linear.scatter [tilespmem:s8], [sflag:$0x8], $0x4000, $0x38;
	[tilespmem:$0x10400] =	vst v63  }
0xb4: {  	_ =	swait.ge [sflag:s29], $0x4000  }
0xb5: {  	[sflag:s29] =	ssyncset.done $0x0  }
0xb6: {  	[sflag:s29] =	ssyncadd.s32 $0xFFFFC000  }
0xb7: {  	v3 =	vld [tilespmem:s0+$0xFFFFFFF0];
	_ =	sdelay $0x4  }
0xb8: {  	v62 =	vshll.u32 v3, $0x3  }
0xb9: {  	v3 =	vand.u32 $0x7, v3;
	v4 =	vand.u32 $0xFFFFFFC0, v62  }
0xba: {  	v3 =	vor.u32 v3, v4  }
0xbb: {  	v4 =	vperm.xlane v3, v0;
	_ =	sdelay $0x1  }
0xbc: {  	v4 =	vadd.s32 v1, v4;
	_ =	sdelay $0x4  }
0xbd: {  	[tilespmem:s13], [sflag:$0x3] =	stream.indirect_vreg.gather [hbm4b:s2+s3], $0x80, v4, vm0, $0xb8;
	[tilespmem:$0x10400] =	vst v63  }
0xbe: {  	v3 =	vperm.xlane v3, v2;
	s13 =	simm.s32 $0x8C00  }
0xbf: {  	[tilespmem:s13], [sflag:$0x3] =	stream.indirect_vreg.gather [hbm4b:s5+s3], $0x80, v4, vm0, $0xb8;
	[tilespmem:$0x10400] =	vst v63  }
0xc0: {  	v3 =	vadd.s32 v1, v3;
	s13 =	simm.s32 $0x9400  }
0xc1: {  	[tilespmem:s13], [sflag:$0x3] =	stream.indirect_vreg.gather [hbm4b:s6+s3], $0x80, v4, vm0, $0xb8;
	[tilespmem:$0x10400] =	vst v63  }
0xc2: {  	s13 =	simm.s32 $0x9C00  }
0xc3: {  	[tilespmem:s13], [sflag:$0x3] =	stream.indirect_vreg.gather [hbm4b:s7+s3], $0x80, v4, vm0, $0xb8;
	[tilespmem:$0x10400] =	vst v63  }
0xc4: {  	s13 =	simm.s32 $0xA400  }
0xc5: {  	[tilespmem:s13], [sflag:$0x3] =	stream.indirect_vreg.gather [hbm4b:s2+s3], $0x80, v3, vm0, $0xb8;
	[tilespmem:$0x10400] =	vst v63  }
0xc6: {  	s13 =	simm.s32 $0xAC00  }
0xc7: {  	[tilespmem:s13], [sflag:$0x3] =	stream.indirect_vreg.gather [hbm4b:s5+s3], $0x80, v3, vm0, $0xb8;
	[tilespmem:$0x10400] =	vst v63  }
0xc8: {  	s13 =	simm.s32 $0xB400  }
0xc9: {  	[tilespmem:s13], [sflag:$0x3] =	stream.indirect_vreg.gather [hbm4b:s6+s3], $0x80, v3, vm0, $0xb8;
	[tilespmem:$0x10400] =	vst v63  }
0xca: {  	s13 =	simm.s32 $0xBC00  }
0xcb: {  	[tilespmem:s13], [sflag:$0x3] =	stream.indirect_vreg.gather [hbm4b:s7+s3], $0x80, v3, vm0, $0xb8;
	[tilespmem:$0x10400] =	vst v63  }
0xcc: {  	_ =	swait.ge [sflag:s21], $0x4000  }
0xcd: {  	[sflag:s21] =	ssyncset.done $0x0  }
0xce: {  	s13 =	sadd.s32 $0x2000, s4;
	[sflag:s21] =	ssyncadd.s32 $0xFFFFC000  }
0xcf: {  	[hbm4b:s13+s3] =	stream.linear.scatter [tilespmem:s22], [sflag:$0x5], $0x4000, $0x38;
	[tilespmem:$0x10400] =	vst v63  }
0xd0: {  	_ =	swait.ge [sflag:s30], $0x4000  }
0xd1: {  	[sflag:s30] =	ssyncset.done $0x0  }
0xd2: {  	[sflag:s30] =	ssyncadd.s32 $0xFFFFC000  }
0xd3: {  	v3 =	vld [tilespmem:s0+$0x0];
	_ =	sdelay $0x4  }
0xd4: {  	v63 =	vshll.u32 v3, $0x3  }
0xd5: {  	v3 =	vand.u32 $0x7, v3;
	v4 =	vand.u32 $0xFFFFFFC0, v63  }
0xd6: {  	v3 =	vor.u32 v3, v4  }
0xd7: {  	v4 =	vperm.xlane v3, v0;
	_ =	sdelay $0x1  }
0xd8: {  	v4 =	vadd.s32 v1, v4;
	_ =	sdelay $0x4  }
0xd9: {  	[tilespmem:s8], [sflag:$0x4] =	stream.indirect_vreg.gather [hbm4b:s2+s3], $0x80, v4, vm0, $0xb8;
	[tilespmem:$0x10400] =	vst v63  }
0xda: {  	s13 =	simm.s32 $0xCC00;
	v3 =	vperm.xlane v3, v2  }
0xdb: {  	[tilespmem:s13], [sflag:$0x4] =	stream.indirect_vreg.gather [hbm4b:s5+s3], $0x80, v4, vm0, $0xb8;
	[tilespmem:$0x10400] =	vst v63  }
0xdc: {  	v3 =	vadd.s32 v1, v3;
	s13 =	simm.s32 $0xD400  }
0xdd: {  	[tilespmem:s13], [sflag:$0x4] =	stream.indirect_vreg.gather [hbm4b:s6+s3], $0x80, v4, vm0, $0xb8;
	[tilespmem:$0x10400] =	vst v63  }
0xde: {  	s13 =	simm.s32 $0xDC00  }
0xdf: {  	[tilespmem:s13], [sflag:$0x4] =	stream.indirect_vreg.gather [hbm4b:s7+s3], $0x80, v4, vm0, $0xb8;
	[tilespmem:$0x10400] =	vst v63  }
0xe0: {  	s13 =	simm.s32 $0xE400  }
0xe1: {  	[tilespmem:s13], [sflag:$0x4] =	stream.indirect_vreg.gather [hbm4b:s2+s3], $0x80, v3, vm0, $0xb8;
	[tilespmem:$0x10400] =	vst v63  }
0xe2: {  	s13 =	simm.s32 $0xEC00  }
0xe3: {  	[tilespmem:s13], [sflag:$0x4] =	stream.indirect_vreg.gather [hbm4b:s5+s3], $0x80, v3, vm0, $0xb8;
	[tilespmem:$0x10400] =	vst v63  }
0xe4: {  	s13 =	simm.s32 $0xF400  }
0xe5: {  	[tilespmem:s13], [sflag:$0x4] =	stream.indirect_vreg.gather [hbm4b:s6+s3], $0x80, v3, vm0, $0xb8;
	[tilespmem:$0x10400] =	vst v63  }
0xe6: {  	p0 =	sne.s32 s1, $0x1C000;
	s13 =	simm.s32 $0xFC00  }
0xe7: {  	[tilespmem:s13], [sflag:$0x4] =	stream.indirect_vreg.gather [hbm4b:s7+s3], $0x80, v3, vm0, $0xb8;
	[tilespmem:$0x10400] =	vst v63  }
.Ltmp0:
0xe8: {  	_ =	swait.ge [sflag:s23], $0x4000;
	(pc) =	sbr.rel @p0 .LBB2_2-.Ltmp0, $4  }
0xe9: {  	s9 =	simm.s32 $0x1400;
	[sflag:s23] =	ssyncset.done $0x0  }
0xea: {  	s1 =	sadd.s32 $0x2000, s1;
	s4 =	sadd.s32 $0x2800, s4;
	[sflag:s23] =	ssyncadd.s32 $0xFFFFC000  }
0xeb: {  	[hbm4b:s4+s3] =	stream.linear.scatter [tilespmem:s31], [sflag:$0x6], $0x4000, $0x38;
	[tilespmem:$0x10400] =	vst v63  }
0xec: {  	s11 =	simm.s32 $0x8400;
	s0 =	sadd.s32 $0x40, s0;
	s4 =	simm.s32 $0xC00  }
0xed: {  	_ =	swait.ge [sflag:s25], $0x4000  }
0xee: {  	[sflag:s25] =	ssyncset.done $0x0  }
0xef: {  	s0 =	rddreg [dreg:$0x8];
	[sflag:s25] =	ssyncadd.s32 $0xFFFFC000  }
0xf0: {  	[hbm4b:s0+s3] =	stream.linear.scatter [tilespmem:s11], [sflag:$0x7], $0x4000, $0x38;
	[tilespmem:$0x10400] =	vst v63  }
0xf1: {  	_ =	swait.ge [sflag:s28], $0x4000  }
0xf2: {  	[sflag:s28] =	ssyncset.done $0x0  }
0xf3: {  	s20 =	rddreg [dreg:$0x9];
	[sflag:s28] =	ssyncadd.s32 $0xFFFFC000  }
0xf4: {  	[hbm4b:s20+s3] =	stream.linear.scatter [tilespmem:s8], [sflag:$0x8], $0x4000, $0x38;
	[tilespmem:$0x10400] =	vst v63  }
0xf5: {  	_ =	swait.ge [sflag:s24], $0x4000  }
0xf6: {  	[sflag:s24] =	ssyncset.done $0x0  }
0xf7: {  	[sflag:s24] =	ssyncadd.s32 $0xFFFFC000  }
0xf8: {  	_ =	swait.ge [sflag:s26], $0x4000  }
0xf9: {  	[sflag:s26] =	ssyncset.done $0x0  }
0xfa: {  	[sflag:s26] =	ssyncadd.s32 $0xFFFFC000  }
0xfb: {  	_ =	swait.ge [sflag:s29], $0x4000  }
0xfc: {  	[sflag:s29] =	ssyncset.done $0x0  }
0xfd: {  	[sflag:s29] =	ssyncadd.s32 $0xFFFFC000  }
0xfe: {  	_ =	swait.ge [sflag:s30], $0x4000  }
0xff: {  	s1 =	rddreg [dreg:$0xb]  }
0x100: {  	s22 =	rddreg [dreg:$0xa];
	s1 =	sadd.s32 $0x1, s1  }
0x101: {  	s10 =	simm.s32 $0x2400;
	s31 =	simm.s32 $0x2C00;
	p0 =	sne.s32 s1, s22  }
.Ltmp1:
0x102: {  	s12 =	simm.s32 $0x3400;
	s13 =	simm.s32 $0x3C00;
	(pc) =	sbr.rel @p0 .LBB2_1-.Ltmp1, $4  }
0x103: {  	s15 =	simm.s32 $0x4C00;
	s16 =	simm.s32 $0x5400;
	s17 =	simm.s32 $0x5C00  }
0x104: {  	s18 =	simm.s32 $0x6400;
	s19 =	simm.s32 $0x6C00;
	[sflag:s30] =	ssyncset.done $0x0  }
0x105: {  	s14 =	simm.s32 $0x7400;
	s20 =	simm.s32 $0x400;
	[sflag:s30] =	ssyncadd.s32 $0xFFFFC000  }
0x106: {  	[dreg:$0xb] =	wrdreg s1;
	s1 =	simm.s32 $0x1C00;
	s22 =	simm.s32 $0x4400  }
0x107: {  	_ =	sfence.sel $0x180000  }
0x108: {  	[bflag:$0x0] =	sbarrier.arrive $0xFFFF  }
0x109: {  	_ =	strace $0x90000047  }
0x10a: {  	s0 =	stileid.u32;
	[bflag:$0x2] =	sbarrier.arrive $0xFFFF  }
0x10b: {  	p0 =	sne.s32 s0, $0x0;
	s0 =	rddreg [dreg:$0x3]  }
0x10c: {  	s0 =	sadd.s32 @!p0 $0x100000, s0  }
0x10d: {  	[sflag:s0] =	ssyncadd.tile.s32 @!p0 $0x1;
	_ =	shalt  }
.Lfunc_end2:
_tile_overlayer_lowered:
.L_overlay_start_2:
0x10e: {  	(tag) =	ssettag $0x2  }
0x10f: {  	s0 =	rddreg [dreg:$0x0];
	s2 =	stileid.u32  }
0x110: {  	s1 =	rddreg [dreg:$0x1];
	p0 =	sne.s32 s2, $0x0  }
0x111: {  	s3 =	rddreg [dreg:$0x2];
	[bflag:$0x3] =	sbarrier.arrive $0xFFFF;
	s2 =	simm.s32 @!p0 $0x1C09  }
0x112: {  	[timem:s3], [sflag:s2] =	dma.local @!p0 [hbm:s0], s1  }
0x113: {  	s0 =	simm.s32 @!p0 $0x9  }
0x114: {  	_ =	swait.ge @!p0 [sflag:s0], s1  }
0x115: {  	s1 =	ssub.s32 @!p0 $0x0, s1;
	[sflag:s0] =	ssyncset.done @!p0 $0x0  }
0x116: {  	[sflag:s0] =	ssyncadd.s32 @!p0 s1  }
0x117: {  	[bflag:$0x3] =	sbarrier.arrive $0xFFFF  }
0x118: {  	_ =	shalt  }

</sc_bundles>
